<compile_context>
chip_gen: v7x
topology: tpu7x:2x2x1
jax: 0.10.2.dev20260603
libtpu: 0.0.44.dev20260713+nightly
codegen_flags: <defaults>
</compile_context>

<pallas_src>
import functools

import jax
import jax.numpy as jnp
from jax import lax
from jax.experimental import pallas as pl
from jax.experimental.pallas import tpu as pltpu
from jax.experimental.pallas import tpu_sc as plsc

_N = 10000
_D = 128
_E = 320000
_NC = 2
_NS = 16
_NW = _NC * _NS
_K = 128
_EPW = _E // _NW
_NCH = _EPW // _K
_TAIL = _EPW - _NCH * _K
_NPAD = 10240
_RPZ = _NPAD // _NS


def _make_segsum():
    mesh = plsc.VectorSubcoreMesh(core_axis_name="c", subcore_axis_name="s")

    @functools.partial(
        pl.kernel,
        mesh=mesh,
        out_type=jax.ShapeDtypeStruct((_NC, _NPAD, _D), jnp.float32),
        scratch_types=[
            pltpu.VMEM((4, _K), jnp.int32),
            pltpu.VMEM((4, _K), jnp.int32),
            pltpu.VMEM((_TAIL,), jnp.int32),
            pltpu.VMEM((_TAIL,), jnp.int32),
            pltpu.VMEM((_K, _D), jnp.float32),
            pltpu.VMEM((_K, _D), jnp.float32),
            pltpu.VMEM((_TAIL, _D), jnp.float32),
            pltpu.VMEM_SHARED((_NPAD, _D), jnp.float32),
            pltpu.SemaphoreType.DMA,
            pltpu.SemaphoreType.DMA,
            pltpu.SemaphoreType.DMA,
        ],
    )
    def seg(h_hbm, src_hbm, dst_hbm, z_hbm, out_hbm,
            sidx, didx, sidx_t, didx_t, rows0, rows1, rows_t, agg_sh,
            gs0, gs1, isem):
        c = lax.axis_index("c")
        s = lax.axis_index("s")
        gwid = s * _NC + c
        ebase = gwid * _EPW
        rows = (rows0, rows1)
        gs = (gs0, gs1)

        def drain(buf, sem):
            pltpu.make_async_copy(h_hbm.at[pl.ds(0, buf.shape[0])],
                                  buf, sem).wait()

        for b in range(2):
            pltpu.sync_copy(src_hbm.at[pl.ds(ebase + b * _K, _K)], sidx.at[b])
            pltpu.sync_copy(dst_hbm.at[pl.ds(ebase + b * _K, _K)], didx.at[b])
            pltpu.async_copy(h_hbm.at[sidx.at[b]], rows[b], gs[b])
        tbase = ebase + _NCH * _K
        pltpu.sync_copy(src_hbm.at[pl.ds(tbase, _TAIL)], sidx_t)
        pltpu.sync_copy(dst_hbm.at[pl.ds(tbase, _TAIL)], didx_t)
        pltpu.async_copy(h_hbm.at[sidx_t], rows_t, isem)

        pltpu.sync_copy(z_hbm, agg_sh.at[pl.ds(s * _RPZ, _RPZ)])
        plsc.subcore_barrier()
        pltpu.make_async_copy(h_hbm.at[pl.ds(0, _TAIL)], rows_t, isem).wait()
        pltpu.sync_copy(rows_t, agg_sh.at[didx_t], add=True)

        def body(jj, carry):
            for b in range(2):
                j = jj * 2 + b
                s_cur = lax.rem(j, 4)
                s_pre = lax.rem(j + 2, 4)
                @pl.when(j + 2 < _NCH)
                def _():
                    pltpu.async_copy(
                        src_hbm.at[pl.ds(ebase + (j + 2) * _K, _K)],
                        sidx.at[s_pre], isem)
                    pltpu.async_copy(
                        dst_hbm.at[pl.ds(ebase + (j + 2) * _K, _K)],
                        didx.at[s_pre], isem)
                drain(rows[b], gs[b])
                pltpu.sync_copy(rows[b], agg_sh.at[didx.at[s_cur]], add=True)
                @pl.when(j + 2 < _NCH)
                def _():
                    pltpu.make_async_copy(
                        src_hbm.at[pl.ds(0, _K)], sidx.at[s_pre], isem).wait()
                    pltpu.make_async_copy(
                        src_hbm.at[pl.ds(0, _K)], didx.at[s_pre], isem).wait()
                    pltpu.async_copy(
                        h_hbm.at[sidx.at[s_pre]], rows[b], gs[b])
            return carry

        lax.fori_loop(0, _NCH // 2, body, 0)
        plsc.subcore_barrier()
        pltpu.sync_copy(agg_sh.at[pl.ds(s * _RPZ, _RPZ)],
                        out_hbm.at[c, pl.ds(s * _RPZ, _RPZ)])

    return seg


_segsum = _make_segsum()


_R = 5000


def _lin_body(x_ref, w_ref, b_ref, o_ref):
    o_ref[...] = (
        jnp.dot(x_ref[...], w_ref[...], preferred_element_type=jnp.float32)
        + b_ref[...]
    )


def _linear(x, w, b2d):
    n, din = x.shape
    dout = w.shape[1]
    return pl.pallas_call(
        _lin_body,
        grid=(n // _R,),
        in_specs=[
            pl.BlockSpec((_R, din), lambda i: (i, 0)),
            pl.BlockSpec((din, dout), lambda i: (0, 0)),
            pl.BlockSpec((1, dout), lambda i: (0, 0)),
        ],
        out_specs=pl.BlockSpec((_R, dout), lambda i: (i, 0)),
        out_shape=jax.ShapeDtypeStruct((n, dout), jnp.float32),
    )(x, w, b2d)


def _mlp_body(h_ref, p0_ref, p1_ref, e_ref, w1_ref, b1_ref, w2_ref, b2_ref,
              o_ref):
    s = h_ref[...] * e_ref[...] + p0_ref[0] + p1_ref[0]
    t = jnp.maximum(
        jnp.dot(s, w1_ref[...], preferred_element_type=jnp.float32)
        + b1_ref[...], 0.0)
    o_ref[...] = (
        jnp.dot(t, w2_ref[...], preferred_element_type=jnp.float32)
        + b2_ref[...]
    )


def _gin_mlp(h, parts, e_row, w1, b1_2d, w2, b2_2d):
    row = lambda i: (i, 0)
    fixed = lambda i: (0, 0)
    part0 = lambda i: (0, i, 0)
    part1 = lambda i: (1, i, 0)
    return pl.pallas_call(
        _mlp_body,
        grid=(_N // _R,),
        in_specs=[
            pl.BlockSpec((_R, _D), row),
            pl.BlockSpec((1, _R, _D), part0),
            pl.BlockSpec((1, _R, _D), part1),
            pl.BlockSpec((1, _D), fixed),
            pl.BlockSpec((_D, _D), fixed),
            pl.BlockSpec((1, _D), fixed),
            pl.BlockSpec((_D, _D), fixed),
            pl.BlockSpec((1, _D), fixed),
        ],
        out_specs=pl.BlockSpec((_R, _D), row),
        out_shape=jax.ShapeDtypeStruct((_N, _D), jnp.float32),
    )(h, parts, parts, e_row, w1, b1_2d, w2, b2_2d)


def _final_body(h0_ref, h1_ref, q0_ref, q1_ref, e_ref, w1_ref, b1_ref,
                w2_ref, b2_ref, wo_ref, bo_ref, o_ref):
    s = h1_ref[...] * e_ref[...] + q0_ref[0] + q1_ref[0]
    t = jnp.maximum(
        jnp.dot(s, w1_ref[...], preferred_element_type=jnp.float32)
        + b1_ref[...], 0.0)
    h2 = (jnp.dot(t, w2_ref[...], preferred_element_type=jnp.float32)
          + b2_ref[...])
    logits = (
        jnp.dot(h0_ref[...], wo_ref[0:_D, :],
                preferred_element_type=jnp.float32)
        + jnp.dot(h1_ref[...], wo_ref[_D:2 * _D, :],
                  preferred_element_type=jnp.float32)
        + jnp.dot(h2, wo_ref[2 * _D:3 * _D, :],
                  preferred_element_type=jnp.float32)
        + bo_ref[...]
    )
    m = jnp.max(logits, axis=-1, keepdims=True)
    ex = jnp.exp(logits - m)
    lse = jnp.log(jnp.sum(ex, axis=-1, keepdims=True)) + m
    o_ref[...] = logits - lse


def _final(h0, h1, parts, e_row, w1, b1_2d, w2, b2_2d, wo, bo_2d):
    row = lambda i: (i, 0)
    fixed = lambda i: (0, 0)
    part0 = lambda i: (0, i, 0)
    part1 = lambda i: (1, i, 0)
    return pl.pallas_call(
        _final_body,
        grid=(_N // _R,),
        in_specs=[
            pl.BlockSpec((_R, _D), row),
            pl.BlockSpec((_R, _D), row),
            pl.BlockSpec((1, _R, _D), part0),
            pl.BlockSpec((1, _R, _D), part1),
            pl.BlockSpec((1, _D), fixed),
            pl.BlockSpec((_D, _D), fixed),
            pl.BlockSpec((1, _D), fixed),
            pl.BlockSpec((_D, _D), fixed),
            pl.BlockSpec((1, _D), fixed),
            pl.BlockSpec((3 * _D, _D), fixed),
            pl.BlockSpec((1, _D), fixed),
        ],
        out_specs=pl.BlockSpec((_R, _D), row),
        out_shape=jax.ShapeDtypeStruct((_N, _D), jnp.float32),
    )(h0, h1, parts, parts, e_row, w1, b1_2d, w2, b2_2d, wo, bo_2d)


def kernel(X, A, in_W, in_b, eps0, W1_0, b1_0, W2_0, b2_0,
           eps1, W1_1, b1_1, W2_1, b2_1, out_W, out_b):
    src = A[0]
    dst = A[1]
    zeros = jnp.zeros((_RPZ, _D), jnp.float32)
    e0 = jnp.full((1, _D), 1.0 + eps0, jnp.float32)
    e1 = jnp.full((1, _D), 1.0 + eps1, jnp.float32)

    h0 = _linear(X, in_W, in_b.reshape(1, -1))
    parts0 = _segsum(h0, src, dst, zeros)
    h1 = _gin_mlp(h0, parts0, e0,
                  W1_0, b1_0.reshape(1, -1), W2_0, b2_0.reshape(1, -1))
    parts1 = _segsum(h1, src, dst, zeros)
    return _final(h0, h1, parts1, e1,
                  W1_1, b1_1.reshape(1, -1), W2_1, b2_1.reshape(1, -1),
                  out_W, out_b.reshape(1, -1))

# --- scband reference (transcript-rebuilt; emitter-appended) ---
"""Pipeline reference for scband-gin-81527069213092 (READ-ONLY COPY).

The authoritative reference and input builder live on the scoring server;
editing this copy changes nothing except your own understanding.
"""

import jax, jax.numpy as jnp
import numpy as np

N = 10000
E = 320000
D_IN = 128
D_H = 128
D_OUT = 128
N_LAYERS = 2


def _lin_init(key, fan_in, fan_out):
    k1, k2 = jax.random.split(key)
    bound = 1.0 / np.sqrt(fan_in)
    W = jax.random.uniform(k1, (fan_in, fan_out), jnp.float32, -bound, bound)
    b = jax.random.uniform(k2, (fan_out,), jnp.float32, -bound, bound)
    return W, b


def setup_inputs(seed: int = 0) -> dict:
    key = jax.random.key(seed)
    ks = jax.random.split(key, 8)
    inp = {}
    inp["X"] = jax.random.normal(ks[0], (N, D_IN), dtype=jnp.float32)
    # adjacency as edge list: row 0 = src, row 1 = dst (A @ X == scatter-add of X[src] into dst)
    inp["A"] = jax.random.randint(ks[1], (2, E), 0, N, dtype=jnp.int32)
    inp["in_W"], inp["in_b"] = _lin_init(ks[2], D_IN, D_H)
    # GINConv layer 0: eps + 2-layer MLP
    inp["eps0"] = jnp.zeros((), dtype=jnp.float32)
    inp["W1_0"], inp["b1_0"] = _lin_init(ks[3], D_H, D_H)
    inp["W2_0"], inp["b2_0"] = _lin_init(ks[4], D_H, D_H)
    # GINConv layer 1
    inp["eps1"] = jnp.zeros((), dtype=jnp.float32)
    inp["W1_1"], inp["b1_1"] = _lin_init(ks[5], D_H, D_H)
    inp["W2_1"], inp["b2_1"] = _lin_init(ks[6], D_H, D_H)
    inp["out_W"], inp["out_b"] = _lin_init(ks[7], D_H * (1 + N_LAYERS), D_OUT)
    return inp


def reference(X, A, in_W, in_b, eps0, W1_0, b1_0, W2_0, b2_0, eps1, W1_1, b1_1, W2_1, b2_1, out_W, out_b):
    src = A[0]
    dst = A[1]

    def gin_conv(H, eps, W1, b1, W2, b2):
        # aggregation: A @ H via gather + scatter-add (segment_sum)
        agg = jax.ops.segment_sum(H[src], dst, num_segments=N)
        h = (1.0 + eps) * H + agg
        h = jnp.maximum(h @ W1 + b1, 0.0)
        return h @ W2 + b2

    H = X @ in_W + in_b
    hidden_states = [H]
    H = gin_conv(H, eps0, W1_0, b1_0, W2_0, b2_0)
    hidden_states.append(H)
    H = gin_conv(H, eps1, W1_1, b1_1, W2_1, b2_1)
    hidden_states.append(H)
    Hc = jnp.concatenate(hidden_states, axis=-1)
    logits = Hc @ out_W + out_b
    return jax.nn.log_softmax(logits, axis=-1)

if __name__ == "__main__":
    import jax
    _d = setup_inputs()
    print(jax.jit(kernel)(*tuple(_d.values())))

</pallas_src>

<mosaic_0001>
#map = affine_map<(d0, d1) -> (0, 0)>
#map1 = affine_map<(d0, d1) -> (0)>
#map2 = affine_map<(d0, d1) -> (0, 0, 0)>
module attributes {stable_mosaic.version = 14 : i64} {
  func.func @seg(%arg0: i32, %arg1: i32, %arg2: memref<10000x128xf32, #tpu.memory_space<hbm>>, %arg3: memref<320000xi32, #tpu.memory_space<hbm>>, %arg4: memref<320000xi32, #tpu.memory_space<hbm>>, %arg5: memref<640x128xf32, #tpu.memory_space<hbm>>, %arg6: memref<2x10240x128xf32, #tpu.memory_space<hbm>>, %arg7: memref<4x128xi32, #tpu.memory_space<vmem>>, %arg8: memref<4x128xi32, #tpu.memory_space<vmem>>, %arg9: memref<16xi32, #tpu.memory_space<vmem>>, %arg10: memref<16xi32, #tpu.memory_space<vmem>>, %arg11: memref<128x128xf32, #tpu.memory_space<vmem>>, %arg12: memref<128x128xf32, #tpu.memory_space<vmem>>, %arg13: memref<16x128xf32, #tpu.memory_space<vmem>>, %arg14: memref<10240x128xf32, #tpu.memory_space<vmem_shared>>, %arg15: memref<!tpu.dma_semaphore, #tpu.memory_space<semaphore_mem>>, %arg16: memref<!tpu.dma_semaphore, #tpu.memory_space<semaphore_mem>>, %arg17: memref<!tpu.dma_semaphore, #tpu.memory_space<semaphore_mem>>) attributes {dimension_semantics = [#tpu.dimension_semantics<core_parallel>, #tpu.dimension_semantics<subcore_parallel>], iteration_bounds = array<i64: 2, 16>, scalar_prefetch = 0 : i64, scratch_operands = 11 : i64, tpu.core_type = #tpu.core_type<sc_vector_subcore>, window_params = [{transform_indices = #map}, {transform_indices = #map1}, {transform_indices = #map1}, {transform_indices = #map}, {transform_indices = #map2}]} {
    %mul3A = arith.constant 2 : i32
    %mul3A_0 = arith.muli %arg1, %mul3A : i32
    %add3A = arith.addi %mul3A_0, %arg0 : i32
    %mul3A_1 = arith.constant 10000 : i32
    %mul3A_2 = arith.muli %add3A, %mul3A_1 : i32
    %add3A_3 = arith.constant 0 : i32
    %add3A_4 = arith.addi %mul3A_2, %add3A_3 : i32
    %run_scoped3A = arith.constant 0 : i32
    "tpu.region"() ({
      %run_scoped3A_49 = tpu.sem_alloc : memref<!tpu.dma_semaphore, #tpu.memory_space<semaphore_mem>>
      %dma_start3A_50 = arith.constant 0 : i32
      %dma_start3A_51 = tpu.memref_slice %arg7[%run_scoped3A, %dma_start3A_50] : memref<4x128xi32, #tpu.memory_space<vmem>> -> memref<1x128xi32, #tpu.memory_space<vmem>>
      %dma_start3A_52 = tpu.memref_squeeze %dma_start3A_51 : memref<1x128xi32, #tpu.memory_space<vmem>> -> memref<128xi32, #tpu.memory_space<vmem>>
      %dma_start3A_53 = tpu.memref_slice %arg3[%add3A_4] : memref<320000xi32, #tpu.memory_space<hbm>> -> memref<128xi32, #tpu.memory_space<hbm>>
      %dma_start3A_54 = arith.constant 0 : i32
      %dma_start3A_55 = tpu.memref_slice %arg7[%run_scoped3A, %dma_start3A_54] : memref<4x128xi32, #tpu.memory_space<vmem>> -> memref<1x128xi32, #tpu.memory_space<vmem>>
      %dma_start3A_56 = tpu.memref_squeeze %dma_start3A_55 : memref<1x128xi32, #tpu.memory_space<vmem>> -> memref<128xi32, #tpu.memory_space<vmem>>
      %dma_start3A_57 = tpu.memref_slice %arg3[%add3A_4] : memref<320000xi32, #tpu.memory_space<hbm>> -> memref<128xi32, #tpu.memory_space<hbm>>
      tpu.enqueue_dma source(%dma_start3A_57 : memref<128xi32, #tpu.memory_space<hbm>>) target(%dma_start3A_56 : memref<128xi32, #tpu.memory_space<vmem>>) target_semaphore(%run_scoped3A_49 : memref<!tpu.dma_semaphore, #tpu.memory_space<semaphore_mem>>)
      %dma_wait3A_58 = arith.constant 0 : i32
      %dma_wait3A_59 = tpu.memref_slice %arg7[%run_scoped3A, %dma_wait3A_58] : memref<4x128xi32, #tpu.memory_space<vmem>> -> memref<1x128xi32, #tpu.memory_space<vmem>>
      %dma_wait3A_60 = tpu.memref_squeeze %dma_wait3A_59 : memref<1x128xi32, #tpu.memory_space<vmem>> -> memref<128xi32, #tpu.memory_space<vmem>>
      %dma_wait3A_61 = tpu.memref_slice %arg3[%add3A_4] : memref<320000xi32, #tpu.memory_space<hbm>> -> memref<128xi32, #tpu.memory_space<hbm>>
      %dma_wait3A_62 = arith.constant 0 : i32
      %dma_wait3A_63 = tpu.memref_slice %arg7[%run_scoped3A, %dma_wait3A_62] : memref<4x128xi32, #tpu.memory_space<vmem>> -> memref<1x128xi32, #tpu.memory_space<vmem>>
      %dma_wait3A_64 = tpu.memref_squeeze %dma_wait3A_63 : memref<1x128xi32, #tpu.memory_space<vmem>> -> memref<128xi32, #tpu.memory_space<vmem>>
      %dma_wait3A_65 = tpu.memref_slice %arg3[%add3A_4] : memref<320000xi32, #tpu.memory_space<hbm>> -> memref<128xi32, #tpu.memory_space<hbm>>
      tpu.wait_dma2 semaphore(%run_scoped3A_49 : memref<!tpu.dma_semaphore, #tpu.memory_space<semaphore_mem>>) src(%dma_wait3A_65 : memref<128xi32, #tpu.memory_space<hbm>>) dst(%dma_wait3A_64 : memref<128xi32, #tpu.memory_space<vmem>>)
      tpu.yield
    }) : () -> ()
    %add3A_5 = arith.constant 0 : i32
    %add3A_6 = arith.addi %mul3A_2, %add3A_5 : i32
    %run_scoped3A_7 = arith.constant 0 : i32
    "tpu.region"() ({
      %run_scoped3A_49 = tpu.sem_alloc : memref<!tpu.dma_semaphore, #tpu.memory_space<semaphore_mem>>
      %dma_start3A_50 = arith.constant 0 : i32
      %dma_start3A_51 = tpu.memref_slice %arg8[%run_scoped3A_7, %dma_start3A_50] : memref<4x128xi32, #tpu.memory_space<vmem>> -> memref<1x128xi32, #tpu.memory_space<vmem>>
      %dma_start3A_52 = tpu.memref_squeeze %dma_start3A_51 : memref<1x128xi32, #tpu.memory_space<vmem>> -> memref<128xi32, #tpu.memory_space<vmem>>
      %dma_start3A_53 = tpu.memref_slice %arg4[%add3A_6] : memref<320000xi32, #tpu.memory_space<hbm>> -> memref<128xi32, #tpu.memory_space<hbm>>
      %dma_start3A_54 = arith.constant 0 : i32
      %dma_start3A_55 = tpu.memref_slice %arg8[%run_scoped3A_7, %dma_start3A_54] : memref<4x128xi32, #tpu.memory_space<vmem>> -> memref<1x128xi32, #tpu.memory_space<vmem>>
      %dma_start3A_56 = tpu.memref_squeeze %dma_start3A_55 : memref<1x128xi32, #tpu.memory_space<vmem>> -> memref<128xi32, #tpu.memory_space<vmem>>
      %dma_start3A_57 = tpu.memref_slice %arg4[%add3A_6] : memref<320000xi32, #tpu.memory_space<hbm>> -> memref<128xi32, #tpu.memory_space<hbm>>
      tpu.enqueue_dma source(%dma_start3A_57 : memref<128xi32, #tpu.memory_space<hbm>>) target(%dma_start3A_56 : memref<128xi32, #tpu.memory_space<vmem>>) target_semaphore(%run_scoped3A_49 : memref<!tpu.dma_semaphore, #tpu.memory_space<semaphore_mem>>)
      %dma_wait3A_58 = arith.constant 0 : i32
      %dma_wait3A_59 = tpu.memref_slice %arg8[%run_scoped3A_7, %dma_wait3A_58] : memref<4x128xi32, #tpu.memory_space<vmem>> -> memref<1x128xi32, #tpu.memory_space<vmem>>
      %dma_wait3A_60 = tpu.memref_squeeze %dma_wait3A_59 : memref<1x128xi32, #tpu.memory_space<vmem>> -> memref<128xi32, #tpu.memory_space<vmem>>
      %dma_wait3A_61 = tpu.memref_slice %arg4[%add3A_6] : memref<320000xi32, #tpu.memory_space<hbm>> -> memref<128xi32, #tpu.memory_space<hbm>>
      %dma_wait3A_62 = arith.constant 0 : i32
      %dma_wait3A_63 = tpu.memref_slice %arg8[%run_scoped3A_7, %dma_wait3A_62] : memref<4x128xi32, #tpu.memory_space<vmem>> -> memref<1x128xi32, #tpu.memory_space<vmem>>
      %dma_wait3A_64 = tpu.memref_squeeze %dma_wait3A_63 : memref<1x128xi32, #tpu.memory_space<vmem>> -> memref<128xi32, #tpu.memory_space<vmem>>
      %dma_wait3A_65 = tpu.memref_slice %arg4[%add3A_6] : memref<320000xi32, #tpu.memory_space<hbm>> -> memref<128xi32, #tpu.memory_space<hbm>>
      tpu.wait_dma2 semaphore(%run_scoped3A_49 : memref<!tpu.dma_semaphore, #tpu.memory_space<semaphore_mem>>) src(%dma_wait3A_65 : memref<128xi32, #tpu.memory_space<hbm>>) dst(%dma_wait3A_64 : memref<128xi32, #tpu.memory_space<vmem>>)
      tpu.yield
    }) : () -> ()
    %dma_start3A = arith.constant 0 : i32
    %dma_start3A_8 = arith.constant 0 : i32
    %dma_start3A_9 = tpu.memref_slice %arg7[%dma_start3A, %dma_start3A_8] : memref<4x128xi32, #tpu.memory_space<vmem>> -> memref<1x128xi32, #tpu.memory_space<vmem>>
    %dma_start3A_10 = tpu.memref_squeeze %dma_start3A_9 : memref<1x128xi32, #tpu.memory_space<vmem>> -> memref<128xi32, #tpu.memory_space<vmem>>
    %dma_start3A_11 = arith.constant 0 : i32
    %dma_start3A_12 = arith.constant 0 : i32
    %dma_start3A_13 = tpu.memref_slice %arg2[%dma_start3A_11, %dma_start3A_12] : memref<10000x128xf32, #tpu.memory_space<hbm>> -> memref<10000x128xf32, #tpu.memory_space<hbm>>
    tpu.enqueue_indirect_dma source(%dma_start3A_13 : memref<10000x128xf32, #tpu.memory_space<hbm>>) target(%arg11 : memref<128x128xf32, #tpu.memory_space<vmem>>) offsets(%dma_start3A_10 : memref<128xi32, #tpu.memory_space<vmem>>) semaphore(%arg15 : memref<!tpu.dma_semaphore, #tpu.memory_space<semaphore_mem>>)
    %add3A_14 = arith.constant 128 : i32
    %add3A_15 = arith.addi %mul3A_2, %add3A_14 : i32
    %run_scoped3A_16 = arith.constant 1 : i32
    "tpu.region"() ({
      %run_scoped3A_49 = tpu.sem_alloc : memref<!tpu.dma_semaphore, #tpu.memory_space<semaphore_mem>>
      %dma_start3A_50 = arith.constant 0 : i32
      %dma_start3A_51 = tpu.memref_slice %arg7[%run_scoped3A_16, %dma_start3A_50] : memref<4x128xi32, #tpu.memory_space<vmem>> -> memref<1x128xi32, #tpu.memory_space<vmem>>
      %dma_start3A_52 = tpu.memref_squeeze %dma_start3A_51 : memref<1x128xi32, #tpu.memory_space<vmem>> -> memref<128xi32, #tpu.memory_space<vmem>>
      %dma_start3A_53 = tpu.memref_slice %arg3[%add3A_15] : memref<320000xi32, #tpu.memory_space<hbm>> -> memref<128xi32, #tpu.memory_space<hbm>>
      %dma_start3A_54 = arith.constant 0 : i32
      %dma_start3A_55 = tpu.memref_slice %arg7[%run_scoped3A_16, %dma_start3A_54] : memref<4x128xi32, #tpu.memory_space<vmem>> -> memref<1x128xi32, #tpu.memory_space<vmem>>
      %dma_start3A_56 = tpu.memref_squeeze %dma_start3A_55 : memref<1x128xi32, #tpu.memory_space<vmem>> -> memref<128xi32, #tpu.memory_space<vmem>>
      %dma_start3A_57 = tpu.memref_slice %arg3[%add3A_15] : memref<320000xi32, #tpu.memory_space<hbm>> -> memref<128xi32, #tpu.memory_space<hbm>>
      tpu.enqueue_dma source(%dma_start3A_57 : memref<128xi32, #tpu.memory_space<hbm>>) target(%dma_start3A_56 : memref<128xi32, #tpu.memory_space<vmem>>) target_semaphore(%run_scoped3A_49 : memref<!tpu.dma_semaphore, #tpu.memory_space<semaphore_mem>>)
      %dma_wait3A_58 = arith.constant 0 : i32
      %dma_wait3A_59 = tpu.memref_slice %arg7[%run_scoped3A_16, %dma_wait3A_58] : memref<4x128xi32, #tpu.memory_space<vmem>> -> memref<1x128xi32, #tpu.memory_space<vmem>>
      %dma_wait3A_60 = tpu.memref_squeeze %dma_wait3A_59 : memref<1x128xi32, #tpu.memory_space<vmem>> -> memref<128xi32, #tpu.memory_space<vmem>>
      %dma_wait3A_61 = tpu.memref_slice %arg3[%add3A_15] : memref<320000xi32, #tpu.memory_space<hbm>> -> memref<128xi32, #tpu.memory_space<hbm>>
      %dma_wait3A_62 = arith.constant 0 : i32
      %dma_wait3A_63 = tpu.memref_slice %arg7[%run_scoped3A_16, %dma_wait3A_62] : memref<4x128xi32, #tpu.memory_space<vmem>> -> memref<1x128xi32, #tpu.memory_space<vmem>>
      %dma_wait3A_64 = tpu.memref_squeeze %dma_wait3A_63 : memref<1x128xi32, #tpu.memory_space<vmem>> -> memref<128xi32, #tpu.memory_space<vmem>>
      %dma_wait3A_65 = tpu.memref_slice %arg3[%add3A_15] : memref<320000xi32, #tpu.memory_space<hbm>> -> memref<128xi32, #tpu.memory_space<hbm>>
      tpu.wait_dma2 semaphore(%run_scoped3A_49 : memref<!tpu.dma_semaphore, #tpu.memory_space<semaphore_mem>>) src(%dma_wait3A_65 : memref<128xi32, #tpu.memory_space<hbm>>) dst(%dma_wait3A_64 : memref<128xi32, #tpu.memory_space<vmem>>)
      tpu.yield
    }) : () -> ()
    %add3A_17 = arith.constant 128 : i32
    %add3A_18 = arith.addi %mul3A_2, %add3A_17 : i32
    %run_scoped3A_19 = arith.constant 1 : i32
    "tpu.region"() ({
      %run_scoped3A_49 = tpu.sem_alloc : memref<!tpu.dma_semaphore, #tpu.memory_space<semaphore_mem>>
      %dma_start3A_50 = arith.constant 0 : i32
      %dma_start3A_51 = tpu.memref_slice %arg8[%run_scoped3A_19, %dma_start3A_50] : memref<4x128xi32, #tpu.memory_space<vmem>> -> memref<1x128xi32, #tpu.memory_space<vmem>>
      %dma_start3A_52 = tpu.memref_squeeze %dma_start3A_51 : memref<1x128xi32, #tpu.memory_space<vmem>> -> memref<128xi32, #tpu.memory_space<vmem>>
      %dma_start3A_53 = tpu.memref_slice %arg4[%add3A_18] : memref<320000xi32, #tpu.memory_space<hbm>> -> memref<128xi32, #tpu.memory_space<hbm>>
      %dma_start3A_54 = arith.constant 0 : i32
      %dma_start3A_55 = tpu.memref_slice %arg8[%run_scoped3A_19, %dma_start3A_54] : memref<4x128xi32, #tpu.memory_space<vmem>> -> memref<1x128xi32, #tpu.memory_space<vmem>>
      %dma_start3A_56 = tpu.memref_squeeze %dma_start3A_55 : memref<1x128xi32, #tpu.memory_space<vmem>> -> memref<128xi32, #tpu.memory_space<vmem>>
      %dma_start3A_57 = tpu.memref_slice %arg4[%add3A_18] : memref<320000xi32, #tpu.memory_space<hbm>> -> memref<128xi32, #tpu.memory_space<hbm>>
      tpu.enqueue_dma source(%dma_start3A_57 : memref<128xi32, #tpu.memory_space<hbm>>) target(%dma_start3A_56 : memref<128xi32, #tpu.memory_space<vmem>>) target_semaphore(%run_scoped3A_49 : memref<!tpu.dma_semaphore, #tpu.memory_space<semaphore_mem>>)
      %dma_wait3A_58 = arith.constant 0 : i32
      %dma_wait3A_59 = tpu.memref_slice %arg8[%run_scoped3A_19, %dma_wait3A_58] : memref<4x128xi32, #tpu.memory_space<vmem>> -> memref<1x128xi32, #tpu.memory_space<vmem>>
      %dma_wait3A_60 = tpu.memref_squeeze %dma_wait3A_59 : memref<1x128xi32, #tpu.memory_space<vmem>> -> memref<128xi32, #tpu.memory_space<vmem>>
      %dma_wait3A_61 = tpu.memref_slice %arg4[%add3A_18] : memref<320000xi32, #tpu.memory_space<hbm>> -> memref<128xi32, #tpu.memory_space<hbm>>
      %dma_wait3A_62 = arith.constant 0 : i32
      %dma_wait3A_63 = tpu.memref_slice %arg8[%run_scoped3A_19, %dma_wait3A_62] : memref<4x128xi32, #tpu.memory_space<vmem>> -> memref<1x128xi32, #tpu.memory_space<vmem>>
      %dma_wait3A_64 = tpu.memref_squeeze %dma_wait3A_63 : memref<1x128xi32, #tpu.memory_space<vmem>> -> memref<128xi32, #tpu.memory_space<vmem>>
      %dma_wait3A_65 = tpu.memref_slice %arg4[%add3A_18] : memref<320000xi32, #tpu.memory_space<hbm>> -> memref<128xi32, #tpu.memory_space<hbm>>
      tpu.wait_dma2 semaphore(%run_scoped3A_49 : memref<!tpu.dma_semaphore, #tpu.memory_space<semaphore_mem>>) src(%dma_wait3A_65 : memref<128xi32, #tpu.memory_space<hbm>>) dst(%dma_wait3A_64 : memref<128xi32, #tpu.memory_space<vmem>>)
      tpu.yield
    }) : () -> ()
    %dma_start3A_20 = arith.constant 1 : i32
    %dma_start3A_21 = arith.constant 0 : i32
    %dma_start3A_22 = tpu.memref_slice %arg7[%dma_start3A_20, %dma_start3A_21] : memref<4x128xi32, #tpu.memory_space<vmem>> -> memref<1x128xi32, #tpu.memory_space<vmem>>
    %dma_start3A_23 = tpu.memref_squeeze %dma_start3A_22 : memref<1x128xi32, #tpu.memory_space<vmem>> -> memref<128xi32, #tpu.memory_space<vmem>>
    %dma_start3A_24 = arith.constant 0 : i32
    %dma_start3A_25 = arith.constant 0 : i32
    %dma_start3A_26 = tpu.memref_slice %arg2[%dma_start3A_24, %dma_start3A_25] : memref<10000x128xf32, #tpu.memory_space<hbm>> -> memref<10000x128xf32, #tpu.memory_space<hbm>>
    tpu.enqueue_indirect_dma source(%dma_start3A_26 : memref<10000x128xf32, #tpu.memory_space<hbm>>) target(%arg12 : memref<128x128xf32, #tpu.memory_space<vmem>>) offsets(%dma_start3A_23 : memref<128xi32, #tpu.memory_space<vmem>>) semaphore(%arg16 : memref<!tpu.dma_semaphore, #tpu.memory_space<semaphore_mem>>)
    %add3A_27 = arith.constant 9984 : i32
    %add3A_28 = arith.addi %mul3A_2, %add3A_27 : i32
    "tpu.region"() ({
      %run_scoped3A_49 = tpu.sem_alloc : memref<!tpu.dma_semaphore, #tpu.memory_space<semaphore_mem>>
      %dma_start3A_50 = tpu.memref_slice %arg3[%add3A_28] : memref<320000xi32, #tpu.memory_space<hbm>> -> memref<16xi32, #tpu.memory_space<hbm>>
      %dma_start3A_51 = tpu.memref_slice %arg3[%add3A_28] : memref<320000xi32, #tpu.memory_space<hbm>> -> memref<16xi32, #tpu.memory_space<hbm>>
      tpu.enqueue_dma source(%dma_start3A_51 : memref<16xi32, #tpu.memory_space<hbm>>) target(%arg9 : memref<16xi32, #tpu.memory_space<vmem>>) target_semaphore(%run_scoped3A_49 : memref<!tpu.dma_semaphore, #tpu.memory_space<semaphore_mem>>)
      %dma_wait3A_52 = tpu.memref_slice %arg3[%add3A_28] : memref<320000xi32, #tpu.memory_space<hbm>> -> memref<16xi32, #tpu.memory_space<hbm>>
      %dma_wait3A_53 = tpu.memref_slice %arg3[%add3A_28] : memref<320000xi32, #tpu.memory_space<hbm>> -> memref<16xi32, #tpu.memory_space<hbm>>
      tpu.wait_dma2 semaphore(%run_scoped3A_49 : memref<!tpu.dma_semaphore, #tpu.memory_space<semaphore_mem>>) src(%dma_wait3A_53 : memref<16xi32, #tpu.memory_space<hbm>>) dst(%arg9 : memref<16xi32, #tpu.memory_space<vmem>>)
      tpu.yield
    }) : () -> ()
    "tpu.region"() ({
      %run_scoped3A_49 = tpu.sem_alloc : memref<!tpu.dma_semaphore, #tpu.memory_space<semaphore_mem>>
      %dma_start3A_50 = tpu.memref_slice %arg4[%add3A_28] : memref<320000xi32, #tpu.memory_space<hbm>> -> memref<16xi32, #tpu.memory_space<hbm>>
      %dma_start3A_51 = tpu.memref_slice %arg4[%add3A_28] : memref<320000xi32, #tpu.memory_space<hbm>> -> memref<16xi32, #tpu.memory_space<hbm>>
      tpu.enqueue_dma source(%dma_start3A_51 : memref<16xi32, #tpu.memory_space<hbm>>) target(%arg10 : memref<16xi32, #tpu.memory_space<vmem>>) target_semaphore(%run_scoped3A_49 : memref<!tpu.dma_semaphore, #tpu.memory_space<semaphore_mem>>)
      %dma_wait3A_52 = tpu.memref_slice %arg4[%add3A_28] : memref<320000xi32, #tpu.memory_space<hbm>> -> memref<16xi32, #tpu.memory_space<hbm>>
      %dma_wait3A_53 = tpu.memref_slice %arg4[%add3A_28] : memref<320000xi32, #tpu.memory_space<hbm>> -> memref<16xi32, #tpu.memory_space<hbm>>
      tpu.wait_dma2 semaphore(%run_scoped3A_49 : memref<!tpu.dma_semaphore, #tpu.memory_space<semaphore_mem>>) src(%dma_wait3A_53 : memref<16xi32, #tpu.memory_space<hbm>>) dst(%arg10 : memref<16xi32, #tpu.memory_space<vmem>>)
      tpu.yield
    }) : () -> ()
    %dma_start3A_29 = arith.constant 0 : i32
    %dma_start3A_30 = arith.constant 0 : i32
    %dma_start3A_31 = tpu.memref_slice %arg2[%dma_start3A_29, %dma_start3A_30] : memref<10000x128xf32, #tpu.memory_space<hbm>> -> memref<10000x128xf32, #tpu.memory_space<hbm>>
    tpu.enqueue_indirect_dma source(%dma_start3A_31 : memref<10000x128xf32, #tpu.memory_space<hbm>>) target(%arg13 : memref<16x128xf32, #tpu.memory_space<vmem>>) offsets(%arg9 : memref<16xi32, #tpu.memory_space<vmem>>) semaphore(%arg17 : memref<!tpu.dma_semaphore, #tpu.memory_space<semaphore_mem>>)
    %mul3A_32 = arith.constant 640 : i32
    %mul3A_33 = arith.muli %arg1, %mul3A_32 : i32
    "tpu.region"() ({
      %run_scoped3A_49 = tpu.sem_alloc : memref<!tpu.dma_semaphore, #tpu.memory_space<semaphore_mem>>
      %dma_start3A_50 = arith.constant 0 : i32
      %dma_start3A_51 = tpu.memref_slice %arg14[%mul3A_33, %dma_start3A_50] : memref<10240x128xf32, #tpu.memory_space<vmem_shared>> -> memref<640x128xf32, #tpu.memory_space<vmem_shared>>
      tpu.enqueue_dma source(%arg5 : memref<640x128xf32, #tpu.memory_space<hbm>>) target(%dma_start3A_51 : memref<640x128xf32, #tpu.memory_space<vmem_shared>>) target_semaphore(%run_scoped3A_49 : memref<!tpu.dma_semaphore, #tpu.memory_space<semaphore_mem>>)
      %dma_wait3A_52 = arith.constant 0 : i32
      %dma_wait3A_53 = tpu.memref_slice %arg14[%mul3A_33, %dma_wait3A_52] : memref<10240x128xf32, #tpu.memory_space<vmem_shared>> -> memref<640x128xf32, #tpu.memory_space<vmem_shared>>
      tpu.wait_dma2 semaphore(%run_scoped3A_49 : memref<!tpu.dma_semaphore, #tpu.memory_space<semaphore_mem>>) src(%arg5 : memref<640x128xf32, #tpu.memory_space<hbm>>) dst(%dma_wait3A_53 : memref<640x128xf32, #tpu.memory_space<vmem_shared>>)
      tpu.yield
    }) : () -> ()
    %barrier3A = arith.constant 0 : index
    tpu.barrier barrier_id(%barrier3A)
    %dma_wait3A = arith.constant 0 : i32
    %dma_wait3A_34 = arith.constant 0 : i32
    %dma_wait3A_35 = tpu.memref_slice %arg2[%dma_wait3A, %dma_wait3A_34] : memref<10000x128xf32, #tpu.memory_space<hbm>> -> memref<16x128xf32, #tpu.memory_space<hbm>>
    %dma_wait3A_36 = arith.constant 0 : i32
    %dma_wait3A_37 = arith.constant 0 : i32
    %dma_wait3A_38 = tpu.memref_slice %arg2[%dma_wait3A_36, %dma_wait3A_37] : memref<10000x128xf32, #tpu.memory_space<hbm>> -> memref<16x128xf32, #tpu.memory_space<hbm>>
    tpu.wait_dma2 semaphore(%arg17 : memref<!tpu.dma_semaphore, #tpu.memory_space<semaphore_mem>>) src(%dma_wait3A_38 : memref<16x128xf32, #tpu.memory_space<hbm>>) dst(%arg13 : memref<16x128xf32, #tpu.memory_space<vmem>>)
    "tpu.region"() ({
      %run_scoped3A_49 = tpu.sem_alloc : memref<!tpu.dma_semaphore, #tpu.memory_space<semaphore_mem>>
      %dma_start3A_50 = arith.constant 0 : i32
      %dma_start3A_51 = arith.constant 0 : i32
      %dma_start3A_52 = tpu.memref_slice %arg14[%dma_start3A_50, %dma_start3A_51] : memref<10240x128xf32, #tpu.memory_space<vmem_shared>> -> memref<10240x128xf32, #tpu.memory_space<vmem_shared>>
      tpu.enqueue_indirect_dma source(%arg13 : memref<16x128xf32, #tpu.memory_space<vmem>>) target(%dma_start3A_52 : memref<10240x128xf32, #tpu.memory_space<vmem_shared>>) offsets(%arg10 : memref<16xi32, #tpu.memory_space<vmem>>) semaphore(%run_scoped3A_49 : memref<!tpu.dma_semaphore, #tpu.memory_space<semaphore_mem>>) {add = true}
      %dma_wait3A_53 = arith.constant 0 : i32
      %dma_wait3A_54 = arith.constant 0 : i32
      %dma_wait3A_55 = tpu.memref_slice %arg14[%dma_wait3A_53, %dma_wait3A_54] : memref<10240x128xf32, #tpu.memory_space<vmem_shared>> -> memref<10240x128xf32, #tpu.memory_space<vmem_shared>>
      tpu.wait_indirect_dma semaphore(%run_scoped3A_49 : memref<!tpu.dma_semaphore, #tpu.memory_space<semaphore_mem>>) src(%arg13 : memref<16x128xf32, #tpu.memory_space<vmem>>) dst(%dma_wait3A_55 : memref<10240x128xf32, #tpu.memory_space<vmem_shared>>)
      tpu.yield
    }) : () -> ()
    %scan3A = arith.constant 0 : i32
    %scan3A_39 = arith.constant 0 : i32
    %scan3A_40 = arith.constant 39 : i32
    %scan3A_41 = arith.addi %scan3A_39, %scan3A_40 : i32
    %scan3A_42 = arith.constant 1 : i32
    scf.for %scan3A_49 = %scan3A_39 to %scan3A_41 step %scan3A_42  : i32 {
      %mul3A_50 = arith.constant 2 : i32
      %mul3A_51 = arith.muli %scan3A_49, %mul3A_50 : i32
      %add3A_52 = arith.constant 0 : i32
      %add3A_53 = arith.addi %mul3A_51, %add3A_52 : i32
      %rem3A = arith.constant 4 : i32
      %rem3A_54 = arith.remsi %add3A_53, %rem3A : i32
      %add3A_55 = arith.constant 2 : i32
      %add3A_56 = arith.addi %add3A_53, %add3A_55 : i32
      %rem3A_57 = arith.constant 4 : i32
      %rem3A_58 = arith.remsi %add3A_56, %rem3A_57 : i32
      %add3A_59 = arith.constant 2 : i32
      %add3A_60 = arith.addi %add3A_53, %add3A_59 : i32
      %lt3A = arith.constant 78 : i32
      %lt3A_61 = arith.cmpi slt, %add3A_60, %lt3A : i32
      %convert_element_type3A = arith.extui %lt3A_61 : i1 to i32
      %cond3A = arith.constant 0 : i32
      %cond3A_62 = arith.cmpi ne, %convert_element_type3A, %cond3A : i32
      scf.if %cond3A_62 {
        %add3A_106 = arith.constant 2 : i32
        %add3A_107 = arith.addi %add3A_53, %add3A_106 : i32
        %mul3A_108 = arith.constant 128 : i32
        %mul3A_109 = arith.muli %add3A_107, %mul3A_108 : i32
        %add3A_110 = arith.addi %mul3A_2, %mul3A_109 : i32
        %dma_start3A_111 = arith.constant 0 : i32
        %dma_start3A_112 = tpu.memref_slice %arg7[%rem3A_58, %dma_start3A_111] : memref<4x128xi32, #tpu.memory_space<vmem>> -> memref<1x128xi32, #tpu.memory_space<vmem>>
        %dma_start3A_113 = tpu.memref_squeeze %dma_start3A_112 : memref<1x128xi32, #tpu.memory_space<vmem>> -> memref<128xi32, #tpu.memory_space<vmem>>
        %dma_start3A_114 = tpu.memref_slice %arg3[%add3A_110] : memref<320000xi32, #tpu.memory_space<hbm>> -> memref<128xi32, #tpu.memory_space<hbm>>
        %dma_start3A_115 = arith.constant 0 : i32
        %dma_start3A_116 = tpu.memref_slice %arg7[%rem3A_58, %dma_start3A_115] : memref<4x128xi32, #tpu.memory_space<vmem>> -> memref<1x128xi32, #tpu.memory_space<vmem>>
        %dma_start3A_117 = tpu.memref_squeeze %dma_start3A_116 : memref<1x128xi32, #tpu.memory_space<vmem>> -> memref<128xi32, #tpu.memory_space<vmem>>
        %dma_start3A_118 = tpu.memref_slice %arg3[%add3A_110] : memref<320000xi32, #tpu.memory_space<hbm>> -> memref<128xi32, #tpu.memory_space<hbm>>
        tpu.enqueue_dma source(%dma_start3A_118 : memref<128xi32, #tpu.memory_space<hbm>>) target(%dma_start3A_117 : memref<128xi32, #tpu.memory_space<vmem>>) target_semaphore(%arg17 : memref<!tpu.dma_semaphore, #tpu.memory_space<semaphore_mem>>)
        %add3A_119 = arith.constant 2 : i32
        %add3A_120 = arith.addi %add3A_53, %add3A_119 : i32
        %mul3A_121 = arith.constant 128 : i32
        %mul3A_122 = arith.muli %add3A_120, %mul3A_121 : i32
        %add3A_123 = arith.addi %mul3A_2, %mul3A_122 : i32
        %dma_start3A_124 = arith.constant 0 : i32
        %dma_start3A_125 = tpu.memref_slice %arg8[%rem3A_58, %dma_start3A_124] : memref<4x128xi32, #tpu.memory_space<vmem>> -> memref<1x128xi32, #tpu.memory_space<vmem>>
        %dma_start3A_126 = tpu.memref_squeeze %dma_start3A_125 : memref<1x128xi32, #tpu.memory_space<vmem>> -> memref<128xi32, #tpu.memory_space<vmem>>
        %dma_start3A_127 = tpu.memref_slice %arg4[%add3A_123] : memref<320000xi32, #tpu.memory_space<hbm>> -> memref<128xi32, #tpu.memory_space<hbm>>
        %dma_start3A_128 = arith.constant 0 : i32
        %dma_start3A_129 = tpu.memref_slice %arg8[%rem3A_58, %dma_start3A_128] : memref<4x128xi32, #tpu.memory_space<vmem>> -> memref<1x128xi32, #tpu.memory_space<vmem>>
        %dma_start3A_130 = tpu.memref_squeeze %dma_start3A_129 : memref<1x128xi32, #tpu.memory_space<vmem>> -> memref<128xi32, #tpu.memory_space<vmem>>
        %dma_start3A_131 = tpu.memref_slice %arg4[%add3A_123] : memref<320000xi32, #tpu.memory_space<hbm>> -> memref<128xi32, #tpu.memory_space<hbm>>
        tpu.enqueue_dma source(%dma_start3A_131 : memref<128xi32, #tpu.memory_space<hbm>>) target(%dma_start3A_130 : memref<128xi32, #tpu.memory_space<vmem>>) target_semaphore(%arg17 : memref<!tpu.dma_semaphore, #tpu.memory_space<semaphore_mem>>)
      } else {
      }
      %dma_wait3A_63 = arith.constant 0 : i32
      %dma_wait3A_64 = arith.constant 0 : i32
      %dma_wait3A_65 = tpu.memref_slice %arg2[%dma_wait3A_63, %dma_wait3A_64] : memref<10000x128xf32, #tpu.memory_space<hbm>> -> memref<128x128xf32, #tpu.memory_space<hbm>>
      %dma_wait3A_66 = arith.constant 0 : i32
      %dma_wait3A_67 = arith.constant 0 : i32
      %dma_wait3A_68 = tpu.memref_slice %arg2[%dma_wait3A_66, %dma_wait3A_67] : memref<10000x128xf32, #tpu.memory_space<hbm>> -> memref<128x128xf32, #tpu.memory_space<hbm>>
      tpu.wait_dma2 semaphore(%arg15 : memref<!tpu.dma_semaphore, #tpu.memory_space<semaphore_mem>>) src(%dma_wait3A_68 : memref<128x128xf32, #tpu.memory_space<hbm>>) dst(%arg11 : memref<128x128xf32, #tpu.memory_space<vmem>>)
      "tpu.region"() ({
        %run_scoped3A_106 = tpu.sem_alloc : memref<!tpu.dma_semaphore, #tpu.memory_space<semaphore_mem>>
        %dma_start3A_107 = arith.constant 0 : i32
        %dma_start3A_108 = tpu.memref_slice %arg8[%rem3A_54, %dma_start3A_107] : memref<4x128xi32, #tpu.memory_space<vmem>> -> memref<1x128xi32, #tpu.memory_space<vmem>>
        %dma_start3A_109 = tpu.memref_squeeze %dma_start3A_108 : memref<1x128xi32, #tpu.memory_space<vmem>> -> memref<128xi32, #tpu.memory_space<vmem>>
        %dma_start3A_110 = arith.constant 0 : i32
        %dma_start3A_111 = arith.constant 0 : i32
        %dma_start3A_112 = tpu.memref_slice %arg14[%dma_start3A_110, %dma_start3A_111] : memref<10240x128xf32, #tpu.memory_space<vmem_shared>> -> memref<10240x128xf32, #tpu.memory_space<vmem_shared>>
        tpu.enqueue_indirect_dma source(%arg11 : memref<128x128xf32, #tpu.memory_space<vmem>>) target(%dma_start3A_112 : memref<10240x128xf32, #tpu.memory_space<vmem_shared>>) offsets(%dma_start3A_109 : memref<128xi32, #tpu.memory_space<vmem>>) semaphore(%run_scoped3A_106 : memref<!tpu.dma_semaphore, #tpu.memory_space<semaphore_mem>>) {add = true}
        %dma_wait3A_113 = arith.constant 0 : i32
        %dma_wait3A_114 = tpu.memref_slice %arg8[%rem3A_54, %dma_wait3A_113] : memref<4x128xi32, #tpu.memory_space<vmem>> -> memref<1x128xi32, #tpu.memory_space<vmem>>
        %dma_wait3A_115 = tpu.memref_squeeze %dma_wait3A_114 : memref<1x128xi32, #tpu.memory_space<vmem>> -> memref<128xi32, #tpu.memory_space<vmem>>
        %dma_wait3A_116 = arith.constant 0 : i32
        %dma_wait3A_117 = arith.constant 0 : i32
        %dma_wait3A_118 = tpu.memref_slice %arg14[%dma_wait3A_116, %dma_wait3A_117] : memref<10240x128xf32, #tpu.memory_space<vmem_shared>> -> memref<10240x128xf32, #tpu.memory_space<vmem_shared>>
        tpu.wait_indirect_dma semaphore(%run_scoped3A_106 : memref<!tpu.dma_semaphore, #tpu.memory_space<semaphore_mem>>) src(%arg11 : memref<128x128xf32, #tpu.memory_space<vmem>>) dst(%dma_wait3A_118 : memref<10240x128xf32, #tpu.memory_space<vmem_shared>>)
        tpu.yield
      }) : () -> ()
      %add3A_69 = arith.constant 2 : i32
      %add3A_70 = arith.addi %add3A_53, %add3A_69 : i32
      %lt3A_71 = arith.constant 78 : i32
      %lt3A_72 = arith.cmpi slt, %add3A_70, %lt3A_71 : i32
      %convert_element_type3A_73 = arith.extui %lt3A_72 : i1 to i32
      %cond3A_74 = arith.constant 0 : i32
      %cond3A_75 = arith.cmpi ne, %convert_element_type3A_73, %cond3A_74 : i32
      scf.if %cond3A_75 {
        %dma_wait3A_106 = arith.constant 0 : i32
        %dma_wait3A_107 = tpu.memref_slice %arg7[%rem3A_58, %dma_wait3A_106] : memref<4x128xi32, #tpu.memory_space<vmem>> -> memref<1x128xi32, #tpu.memory_space<vmem>>
        %dma_wait3A_108 = tpu.memref_squeeze %dma_wait3A_107 : memref<1x128xi32, #tpu.memory_space<vmem>> -> memref<128xi32, #tpu.memory_space<vmem>>
        %dma_wait3A_109 = arith.constant 0 : i32
        %dma_wait3A_110 = tpu.memref_slice %arg3[%dma_wait3A_109] : memref<320000xi32, #tpu.memory_space<hbm>> -> memref<128xi32, #tpu.memory_space<hbm>>
        %dma_wait3A_111 = arith.constant 0 : i32
        %dma_wait3A_112 = tpu.memref_slice %arg7[%rem3A_58, %dma_wait3A_111] : memref<4x128xi32, #tpu.memory_space<vmem>> -> memref<1x128xi32, #tpu.memory_space<vmem>>
        %dma_wait3A_113 = tpu.memref_squeeze %dma_wait3A_112 : memref<1x128xi32, #tpu.memory_space<vmem>> -> memref<128xi32, #tpu.memory_space<vmem>>
        %dma_wait3A_114 = arith.constant 0 : i32
        %dma_wait3A_115 = tpu.memref_slice %arg3[%dma_wait3A_114] : memref<320000xi32, #tpu.memory_space<hbm>> -> memref<128xi32, #tpu.memory_space<hbm>>
        tpu.wait_dma2 semaphore(%arg17 : memref<!tpu.dma_semaphore, #tpu.memory_space<semaphore_mem>>) src(%dma_wait3A_115 : memref<128xi32, #tpu.memory_space<hbm>>) dst(%dma_wait3A_113 : memref<128xi32, #tpu.memory_space<vmem>>)
        %dma_wait3A_116 = arith.constant 0 : i32
        %dma_wait3A_117 = tpu.memref_slice %arg8[%rem3A_58, %dma_wait3A_116] : memref<4x128xi32, #tpu.memory_space<vmem>> -> memref<1x128xi32, #tpu.memory_space<vmem>>
        %dma_wait3A_118 = tpu.memref_squeeze %dma_wait3A_117 : memref<1x128xi32, #tpu.memory_space<vmem>> -> memref<128xi32, #tpu.memory_space<vmem>>
        %dma_wait3A_119 = arith.constant 0 : i32
        %dma_wait3A_120 = tpu.memref_slice %arg3[%dma_wait3A_119] : memref<320000xi32, #tpu.memory_space<hbm>> -> memref<128xi32, #tpu.memory_space<hbm>>
        %dma_wait3A_121 = arith.constant 0 : i32
        %dma_wait3A_122 = tpu.memref_slice %arg8[%rem3A_58, %dma_wait3A_121] : memref<4x128xi32, #tpu.memory_space<vmem>> -> memref<1x128xi32, #tpu.memory_space<vmem>>
        %dma_wait3A_123 = tpu.memref_squeeze %dma_wait3A_122 : memref<1x128xi32, #tpu.memory_space<vmem>> -> memref<128xi32, #tpu.memory_space<vmem>>
        %dma_wait3A_124 = arith.constant 0 : i32
        %dma_wait3A_125 = tpu.memref_slice %arg3[%dma_wait3A_124] : memref<320000xi32, #tpu.memory_space<hbm>> -> memref<128xi32, #tpu.memory_space<hbm>>
        tpu.wait_dma2 semaphore(%arg17 : memref<!tpu.dma_semaphore, #tpu.memory_space<semaphore_mem>>) src(%dma_wait3A_125 : memref<128xi32, #tpu.memory_space<hbm>>) dst(%dma_wait3A_123 : memref<128xi32, #tpu.memory_space<vmem>>)
        %dma_start3A_126 = arith.constant 0 : i32
        %dma_start3A_127 = tpu.memref_slice %arg7[%rem3A_58, %dma_start3A_126] : memref<4x128xi32, #tpu.memory_space<vmem>> -> memref<1x128xi32, #tpu.memory_space<vmem>>
        %dma_start3A_128 = tpu.memref_squeeze %dma_start3A_127 : memref<1x128xi32, #tpu.memory_space<vmem>> -> memref<128xi32, #tpu.memory_space<vmem>>
        %dma_start3A_129 = arith.constant 0 : i32
        %dma_start3A_130 = arith.constant 0 : i32
        %dma_start3A_131 = tpu.memref_slice %arg2[%dma_start3A_129, %dma_start3A_130] : memref<10000x128xf32, #tpu.memory_space<hbm>> -> memref<10000x128xf32, #tpu.memory_space<hbm>>
        tpu.enqueue_indirect_dma source(%dma_start3A_131 : memref<10000x128xf32, #tpu.memory_space<hbm>>) target(%arg11 : memref<128x128xf32, #tpu.memory_space<vmem>>) offsets(%dma_start3A_128 : memref<128xi32, #tpu.memory_space<vmem>>) semaphore(%arg15 : memref<!tpu.dma_semaphore, #tpu.memory_space<semaphore_mem>>)
      } else {
      }
      %mul3A_76 = arith.constant 2 : i32
      %mul3A_77 = arith.muli %scan3A_49, %mul3A_76 : i32
      %add3A_78 = arith.constant 1 : i32
      %add3A_79 = arith.addi %mul3A_77, %add3A_78 : i32
      %rem3A_80 = arith.constant 4 : i32
      %rem3A_81 = arith.remsi %add3A_79, %rem3A_80 : i32
      %add3A_82 = arith.constant 2 : i32
      %add3A_83 = arith.addi %add3A_79, %add3A_82 : i32
      %rem3A_84 = arith.constant 4 : i32
      %rem3A_85 = arith.remsi %add3A_83, %rem3A_84 : i32
      %add3A_86 = arith.constant 2 : i32
      %add3A_87 = arith.addi %add3A_79, %add3A_86 : i32
      %lt3A_88 = arith.constant 78 : i32
      %lt3A_89 = arith.cmpi slt, %add3A_87, %lt3A_88 : i32
      %convert_element_type3A_90 = arith.extui %lt3A_89 : i1 to i32
      %cond3A_91 = arith.constant 0 : i32
      %cond3A_92 = arith.cmpi ne, %convert_element_type3A_90, %cond3A_91 : i32
      scf.if %cond3A_92 {
        %add3A_106 = arith.constant 2 : i32
        %add3A_107 = arith.addi %add3A_79, %add3A_106 : i32
        %mul3A_108 = arith.constant 128 : i32
        %mul3A_109 = arith.muli %add3A_107, %mul3A_108 : i32
        %add3A_110 = arith.addi %mul3A_2, %mul3A_109 : i32
        %dma_start3A_111 = arith.constant 0 : i32
        %dma_start3A_112 = tpu.memref_slice %arg7[%rem3A_85, %dma_start3A_111] : memref<4x128xi32, #tpu.memory_space<vmem>> -> memref<1x128xi32, #tpu.memory_space<vmem>>
        %dma_start3A_113 = tpu.memref_squeeze %dma_start3A_112 : memref<1x128xi32, #tpu.memory_space<vmem>> -> memref<128xi32, #tpu.memory_space<vmem>>
        %dma_start3A_114 = tpu.memref_slice %arg3[%add3A_110] : memref<320000xi32, #tpu.memory_space<hbm>> -> memref<128xi32, #tpu.memory_space<hbm>>
        %dma_start3A_115 = arith.constant 0 : i32
        %dma_start3A_116 = tpu.memref_slice %arg7[%rem3A_85, %dma_start3A_115] : memref<4x128xi32, #tpu.memory_space<vmem>> -> memref<1x128xi32, #tpu.memory_space<vmem>>
        %dma_start3A_117 = tpu.memref_squeeze %dma_start3A_116 : memref<1x128xi32, #tpu.memory_space<vmem>> -> memref<128xi32, #tpu.memory_space<vmem>>
        %dma_start3A_118 = tpu.memref_slice %arg3[%add3A_110] : memref<320000xi32, #tpu.memory_space<hbm>> -> memref<128xi32, #tpu.memory_space<hbm>>
        tpu.enqueue_dma source(%dma_start3A_118 : memref<128xi32, #tpu.memory_space<hbm>>) target(%dma_start3A_117 : memref<128xi32, #tpu.memory_space<vmem>>) target_semaphore(%arg17 : memref<!tpu.dma_semaphore, #tpu.memory_space<semaphore_mem>>)
        %add3A_119 = arith.constant 2 : i32
        %add3A_120 = arith.addi %add3A_79, %add3A_119 : i32
        %mul3A_121 = arith.constant 128 : i32
        %mul3A_122 = arith.muli %add3A_120, %mul3A_121 : i32
        %add3A_123 = arith.addi %mul3A_2, %mul3A_122 : i32
        %dma_start3A_124 = arith.constant 0 : i32
        %dma_start3A_125 = tpu.memref_slice %arg8[%rem3A_85, %dma_start3A_124] : memref<4x128xi32, #tpu.memory_space<vmem>> -> memref<1x128xi32, #tpu.memory_space<vmem>>
        %dma_start3A_126 = tpu.memref_squeeze %dma_start3A_125 : memref<1x128xi32, #tpu.memory_space<vmem>> -> memref<128xi32, #tpu.memory_space<vmem>>
        %dma_start3A_127 = tpu.memref_slice %arg4[%add3A_123] : memref<320000xi32, #tpu.memory_space<hbm>> -> memref<128xi32, #tpu.memory_space<hbm>>
        %dma_start3A_128 = arith.constant 0 : i32
        %dma_start3A_129 = tpu.memref_slice %arg8[%rem3A_85, %dma_start3A_128] : memref<4x128xi32, #tpu.memory_space<vmem>> -> memref<1x128xi32, #tpu.memory_space<vmem>>
        %dma_start3A_130 = tpu.memref_squeeze %dma_start3A_129 : memref<1x128xi32, #tpu.memory_space<vmem>> -> memref<128xi32, #tpu.memory_space<vmem>>
        %dma_start3A_131 = tpu.memref_slice %arg4[%add3A_123] : memref<320000xi32, #tpu.memory_space<hbm>> -> memref<128xi32, #tpu.memory_space<hbm>>
        tpu.enqueue_dma source(%dma_start3A_131 : memref<128xi32, #tpu.memory_space<hbm>>) target(%dma_start3A_130 : memref<128xi32, #tpu.memory_space<vmem>>) target_semaphore(%arg17 : memref<!tpu.dma_semaphore, #tpu.memory_space<semaphore_mem>>)
      } else {
      }
      %dma_wait3A_93 = arith.constant 0 : i32
      %dma_wait3A_94 = arith.constant 0 : i32
      %dma_wait3A_95 = tpu.memref_slice %arg2[%dma_wait3A_93, %dma_wait3A_94] : memref<10000x128xf32, #tpu.memory_space<hbm>> -> memref<128x128xf32, #tpu.memory_space<hbm>>
      %dma_wait3A_96 = arith.constant 0 : i32
      %dma_wait3A_97 = arith.constant 0 : i32
      %dma_wait3A_98 = tpu.memref_slice %arg2[%dma_wait3A_96, %dma_wait3A_97] : memref<10000x128xf32, #tpu.memory_space<hbm>> -> memref<128x128xf32, #tpu.memory_space<hbm>>
      tpu.wait_dma2 semaphore(%arg16 : memref<!tpu.dma_semaphore, #tpu.memory_space<semaphore_mem>>) src(%dma_wait3A_98 : memref<128x128xf32, #tpu.memory_space<hbm>>) dst(%arg12 : memref<128x128xf32, #tpu.memory_space<vmem>>)
      "tpu.region"() ({
        %run_scoped3A_106 = tpu.sem_alloc : memref<!tpu.dma_semaphore, #tpu.memory_space<semaphore_mem>>
        %dma_start3A_107 = arith.constant 0 : i32
        %dma_start3A_108 = tpu.memref_slice %arg8[%rem3A_81, %dma_start3A_107] : memref<4x128xi32, #tpu.memory_space<vmem>> -> memref<1x128xi32, #tpu.memory_space<vmem>>
        %dma_start3A_109 = tpu.memref_squeeze %dma_start3A_108 : memref<1x128xi32, #tpu.memory_space<vmem>> -> memref<128xi32, #tpu.memory_space<vmem>>
        %dma_start3A_110 = arith.constant 0 : i32
        %dma_start3A_111 = arith.constant 0 : i32
        %dma_start3A_112 = tpu.memref_slice %arg14[%dma_start3A_110, %dma_start3A_111] : memref<10240x128xf32, #tpu.memory_space<vmem_shared>> -> memref<10240x128xf32, #tpu.memory_space<vmem_shared>>
        tpu.enqueue_indirect_dma source(%arg12 : memref<128x128xf32, #tpu.memory_space<vmem>>) target(%dma_start3A_112 : memref<10240x128xf32, #tpu.memory_space<vmem_shared>>) offsets(%dma_start3A_109 : memref<128xi32, #tpu.memory_space<vmem>>) semaphore(%run_scoped3A_106 : memref<!tpu.dma_semaphore, #tpu.memory_space<semaphore_mem>>) {add = true}
        %dma_wait3A_113 = arith.constant 0 : i32
        %dma_wait3A_114 = tpu.memref_slice %arg8[%rem3A_81, %dma_wait3A_113] : memref<4x128xi32, #tpu.memory_space<vmem>> -> memref<1x128xi32, #tpu.memory_space<vmem>>
        %dma_wait3A_115 = tpu.memref_squeeze %dma_wait3A_114 : memref<1x128xi32, #tpu.memory_space<vmem>> -> memref<128xi32, #tpu.memory_space<vmem>>
        %dma_wait3A_116 = arith.constant 0 : i32
        %dma_wait3A_117 = arith.constant 0 : i32
        %dma_wait3A_118 = tpu.memref_slice %arg14[%dma_wait3A_116, %dma_wait3A_117] : memref<10240x128xf32, #tpu.memory_space<vmem_shared>> -> memref<10240x128xf32, #tpu.memory_space<vmem_shared>>
        tpu.wait_indirect_dma semaphore(%run_scoped3A_106 : memref<!tpu.dma_semaphore, #tpu.memory_space<semaphore_mem>>) src(%arg12 : memref<128x128xf32, #tpu.memory_space<vmem>>) dst(%dma_wait3A_118 : memref<10240x128xf32, #tpu.memory_space<vmem_shared>>)
        tpu.yield
      }) : () -> ()
      %add3A_99 = arith.constant 2 : i32
      %add3A_100 = arith.addi %add3A_79, %add3A_99 : i32
      %lt3A_101 = arith.constant 78 : i32
      %lt3A_102 = arith.cmpi slt, %add3A_100, %lt3A_101 : i32
      %convert_element_type3A_103 = arith.extui %lt3A_102 : i1 to i32
      %cond3A_104 = arith.constant 0 : i32
      %cond3A_105 = arith.cmpi ne, %convert_element_type3A_103, %cond3A_104 : i32
      scf.if %cond3A_105 {
        %dma_wait3A_106 = arith.constant 0 : i32
        %dma_wait3A_107 = tpu.memref_slice %arg7[%rem3A_85, %dma_wait3A_106] : memref<4x128xi32, #tpu.memory_space<vmem>> -> memref<1x128xi32, #tpu.memory_space<vmem>>
        %dma_wait3A_108 = tpu.memref_squeeze %dma_wait3A_107 : memref<1x128xi32, #tpu.memory_space<vmem>> -> memref<128xi32, #tpu.memory_space<vmem>>
        %dma_wait3A_109 = arith.constant 0 : i32
        %dma_wait3A_110 = tpu.memref_slice %arg3[%dma_wait3A_109] : memref<320000xi32, #tpu.memory_space<hbm>> -> memref<128xi32, #tpu.memory_space<hbm>>
        %dma_wait3A_111 = arith.constant 0 : i32
        %dma_wait3A_112 = tpu.memref_slice %arg7[%rem3A_85, %dma_wait3A_111] : memref<4x128xi32, #tpu.memory_space<vmem>> -> memref<1x128xi32, #tpu.memory_space<vmem>>
        %dma_wait3A_113 = tpu.memref_squeeze %dma_wait3A_112 : memref<1x128xi32, #tpu.memory_space<vmem>> -> memref<128xi32, #tpu.memory_space<vmem>>
        %dma_wait3A_114 = arith.constant 0 : i32
        %dma_wait3A_115 = tpu.memref_slice %arg3[%dma_wait3A_114] : memref<320000xi32, #tpu.memory_space<hbm>> -> memref<128xi32, #tpu.memory_space<hbm>>
        tpu.wait_dma2 semaphore(%arg17 : memref<!tpu.dma_semaphore, #tpu.memory_space<semaphore_mem>>) src(%dma_wait3A_115 : memref<128xi32, #tpu.memory_space<hbm>>) dst(%dma_wait3A_113 : memref<128xi32, #tpu.memory_space<vmem>>)
        %dma_wait3A_116 = arith.constant 0 : i32
        %dma_wait3A_117 = tpu.memref_slice %arg8[%rem3A_85, %dma_wait3A_116] : memref<4x128xi32, #tpu.memory_space<vmem>> -> memref<1x128xi32, #tpu.memory_space<vmem>>
        %dma_wait3A_118 = tpu.memref_squeeze %dma_wait3A_117 : memref<1x128xi32, #tpu.memory_space<vmem>> -> memref<128xi32, #tpu.memory_space<vmem>>
        %dma_wait3A_119 = arith.constant 0 : i32
        %dma_wait3A_120 = tpu.memref_slice %arg3[%dma_wait3A_119] : memref<320000xi32, #tpu.memory_space<hbm>> -> memref<128xi32, #tpu.memory_space<hbm>>
        %dma_wait3A_121 = arith.constant 0 : i32
        %dma_wait3A_122 = tpu.memref_slice %arg8[%rem3A_85, %dma_wait3A_121] : memref<4x128xi32, #tpu.memory_space<vmem>> -> memref<1x128xi32, #tpu.memory_space<vmem>>
        %dma_wait3A_123 = tpu.memref_squeeze %dma_wait3A_122 : memref<1x128xi32, #tpu.memory_space<vmem>> -> memref<128xi32, #tpu.memory_space<vmem>>
        %dma_wait3A_124 = arith.constant 0 : i32
        %dma_wait3A_125 = tpu.memref_slice %arg3[%dma_wait3A_124] : memref<320000xi32, #tpu.memory_space<hbm>> -> memref<128xi32, #tpu.memory_space<hbm>>
        tpu.wait_dma2 semaphore(%arg17 : memref<!tpu.dma_semaphore, #tpu.memory_space<semaphore_mem>>) src(%dma_wait3A_125 : memref<128xi32, #tpu.memory_space<hbm>>) dst(%dma_wait3A_123 : memref<128xi32, #tpu.memory_space<vmem>>)
        %dma_start3A_126 = arith.constant 0 : i32
        %dma_start3A_127 = tpu.memref_slice %arg7[%rem3A_85, %dma_start3A_126] : memref<4x128xi32, #tpu.memory_space<vmem>> -> memref<1x128xi32, #tpu.memory_space<vmem>>
        %dma_start3A_128 = tpu.memref_squeeze %dma_start3A_127 : memref<1x128xi32, #tpu.memory_space<vmem>> -> memref<128xi32, #tpu.memory_space<vmem>>
        %dma_start3A_129 = arith.constant 0 : i32
        %dma_start3A_130 = arith.constant 0 : i32
        %dma_start3A_131 = tpu.memref_slice %arg2[%dma_start3A_129, %dma_start3A_130] : memref<10000x128xf32, #tpu.memory_space<hbm>> -> memref<10000x128xf32, #tpu.memory_space<hbm>>
        tpu.enqueue_indirect_dma source(%dma_start3A_131 : memref<10000x128xf32, #tpu.memory_space<hbm>>) target(%arg12 : memref<128x128xf32, #tpu.memory_space<vmem>>) offsets(%dma_start3A_128 : memref<128xi32, #tpu.memory_space<vmem>>) semaphore(%arg16 : memref<!tpu.dma_semaphore, #tpu.memory_space<semaphore_mem>>)
      } else {
      }
    }
    %scan3A_43 = arith.constant 39 : i32
    %barrier3A_44 = arith.constant 0 : index
    tpu.barrier barrier_id(%barrier3A_44)
    %mul3A_45 = arith.constant 640 : i32
    %mul3A_46 = arith.muli %arg1, %mul3A_45 : i32
    %mul3A_47 = arith.constant 640 : i32
    %mul3A_48 = arith.muli %arg1, %mul3A_47 : i32
    "tpu.region"() ({
      %run_scoped3A_49 = tpu.sem_alloc : memref<!tpu.dma_semaphore, #tpu.memory_space<semaphore_mem>>
      %dma_start3A_50 = arith.constant 0 : i32
      %dma_start3A_51 = tpu.memref_slice %arg6[%arg0, %mul3A_48, %dma_start3A_50] : memref<2x10240x128xf32, #tpu.memory_space<hbm>> -> memref<1x640x128xf32, #tpu.memory_space<hbm>>
      %dma_start3A_52 = tpu.memref_squeeze %dma_start3A_51 : memref<1x640x128xf32, #tpu.memory_space<hbm>> -> memref<640x128xf32, #tpu.memory_space<hbm>>
      %dma_start3A_53 = arith.constant 0 : i32
      %dma_start3A_54 = tpu.memref_slice %arg14[%mul3A_46, %dma_start3A_53] : memref<10240x128xf32, #tpu.memory_space<vmem_shared>> -> memref<640x128xf32, #tpu.memory_space<vmem_shared>>
      tpu.enqueue_dma source(%dma_start3A_54 : memref<640x128xf32, #tpu.memory_space<vmem_shared>>) target(%dma_start3A_52 : memref<640x128xf32, #tpu.memory_space<hbm>>) target_semaphore(%run_scoped3A_49 : memref<!tpu.dma_semaphore, #tpu.memory_space<semaphore_mem>>)
      %dma_wait3A_55 = arith.constant 0 : i32
      %dma_wait3A_56 = tpu.memref_slice %arg6[%arg0, %mul3A_48, %dma_wait3A_55] : memref<2x10240x128xf32, #tpu.memory_space<hbm>> -> memref<1x640x128xf32, #tpu.memory_space<hbm>>
      %dma_wait3A_57 = tpu.memref_squeeze %dma_wait3A_56 : memref<1x640x128xf32, #tpu.memory_space<hbm>> -> memref<640x128xf32, #tpu.memory_space<hbm>>
      %dma_wait3A_58 = arith.constant 0 : i32
      %dma_wait3A_59 = tpu.memref_slice %arg14[%mul3A_46, %dma_wait3A_58] : memref<10240x128xf32, #tpu.memory_space<vmem_shared>> -> memref<640x128xf32, #tpu.memory_space<vmem_shared>>
      tpu.wait_dma2 semaphore(%run_scoped3A_49 : memref<!tpu.dma_semaphore, #tpu.memory_space<semaphore_mem>>) src(%dma_wait3A_59 : memref<640x128xf32, #tpu.memory_space<vmem_shared>>) dst(%dma_wait3A_57 : memref<640x128xf32, #tpu.memory_space<hbm>>)
      tpu.yield
    }) : () -> ()
    return
  }
}

#map = affine_map<(d0, d1) -> (0, 0)>
#map1 = affine_map<(d0, d1) -> (0)>
#map2 = affine_map<(d0, d1) -> (0, 0, 0)>
module attributes {stable_mosaic.version = 14 : i64} {
  func.func @seg(%arg0: i32, %arg1: i32, %arg2: memref<10000x128xf32, #tpu.memory_space<hbm>>, %arg3: memref<320000xi32, #tpu.memory_space<hbm>>, %arg4: memref<320000xi32, #tpu.memory_space<hbm>>, %arg5: memref<640x128xf32, #tpu.memory_space<hbm>>, %arg6: memref<2x10240x128xf32, #tpu.memory_space<hbm>>, %arg7: memref<4x128xi32, #tpu.memory_space<vmem>>, %arg8: memref<4x128xi32, #tpu.memory_space<vmem>>, %arg9: memref<16xi32, #tpu.memory_space<vmem>>, %arg10: memref<16xi32, #tpu.memory_space<vmem>>, %arg11: memref<128x128xf32, #tpu.memory_space<vmem>>, %arg12: memref<128x128xf32, #tpu.memory_space<vmem>>, %arg13: memref<16x128xf32, #tpu.memory_space<vmem>>, %arg14: memref<10240x128xf32, #tpu.memory_space<vmem_shared>>, %arg15: memref<!tpu.dma_semaphore, #tpu.memory_space<semaphore_mem>>, %arg16: memref<!tpu.dma_semaphore, #tpu.memory_space<semaphore_mem>>, %arg17: memref<!tpu.dma_semaphore, #tpu.memory_space<semaphore_mem>>) attributes {dimension_semantics = [#tpu.dimension_semantics<core_parallel>, #tpu.dimension_semantics<subcore_parallel>], iteration_bounds = array<i64: 2, 16>, scalar_prefetch = 0 : i64, scratch_operands = 11 : i64, tpu.core_type = #tpu.core_type<sc_vector_subcore>, window_params = [{transform_indices = #map}, {transform_indices = #map1}, {transform_indices = #map1}, {transform_indices = #map}, {transform_indices = #map2}]} {
    %mul3A = arith.constant 2 : i32
    %mul3A_0 = arith.muli %arg1, %mul3A : i32
    %add3A = arith.addi %mul3A_0, %arg0 : i32
    %mul3A_1 = arith.constant 10000 : i32
    %mul3A_2 = arith.muli %add3A, %mul3A_1 : i32
    %add3A_3 = arith.constant 0 : i32
    %add3A_4 = arith.addi %mul3A_2, %add3A_3 : i32
    %run_scoped3A = arith.constant 0 : i32
    "tpu.region"() ({
      %run_scoped3A_49 = tpu.sem_alloc : memref<!tpu.dma_semaphore, #tpu.memory_space<semaphore_mem>>
      %dma_start3A_50 = arith.constant 0 : i32
      %dma_start3A_51 = tpu.memref_slice %arg7[%run_scoped3A, %dma_start3A_50] : memref<4x128xi32, #tpu.memory_space<vmem>> -> memref<1x128xi32, #tpu.memory_space<vmem>>
      %dma_start3A_52 = tpu.memref_squeeze %dma_start3A_51 : memref<1x128xi32, #tpu.memory_space<vmem>> -> memref<128xi32, #tpu.memory_space<vmem>>
      %dma_start3A_53 = tpu.memref_slice %arg3[%add3A_4] : memref<320000xi32, #tpu.memory_space<hbm>> -> memref<128xi32, #tpu.memory_space<hbm>>
      %dma_start3A_54 = arith.constant 0 : i32
      %dma_start3A_55 = tpu.memref_slice %arg7[%run_scoped3A, %dma_start3A_54] : memref<4x128xi32, #tpu.memory_space<vmem>> -> memref<1x128xi32, #tpu.memory_space<vmem>>
      %dma_start3A_56 = tpu.memref_squeeze %dma_start3A_55 : memref<1x128xi32, #tpu.memory_space<vmem>> -> memref<128xi32, #tpu.memory_space<vmem>>
      %dma_start3A_57 = tpu.memref_slice %arg3[%add3A_4] : memref<320000xi32, #tpu.memory_space<hbm>> -> memref<128xi32, #tpu.memory_space<hbm>>
      tpu.enqueue_dma source(%dma_start3A_57 : memref<128xi32, #tpu.memory_space<hbm>>) target(%dma_start3A_56 : memref<128xi32, #tpu.memory_space<vmem>>) target_semaphore(%run_scoped3A_49 : memref<!tpu.dma_semaphore, #tpu.memory_space<semaphore_mem>>)
      %dma_wait3A_58 = arith.constant 0 : i32
      %dma_wait3A_59 = tpu.memref_slice %arg7[%run_scoped3A, %dma_wait3A_58] : memref<4x128xi32, #tpu.memory_space<vmem>> -> memref<1x128xi32, #tpu.memory_space<vmem>>
      %dma_wait3A_60 = tpu.memref_squeeze %dma_wait3A_59 : memref<1x128xi32, #tpu.memory_space<vmem>> -> memref<128xi32, #tpu.memory_space<vmem>>
      %dma_wait3A_61 = tpu.memref_slice %arg3[%add3A_4] : memref<320000xi32, #tpu.memory_space<hbm>> -> memref<128xi32, #tpu.memory_space<hbm>>
      %dma_wait3A_62 = arith.constant 0 : i32
      %dma_wait3A_63 = tpu.memref_slice %arg7[%run_scoped3A, %dma_wait3A_62] : memref<4x128xi32, #tpu.memory_space<vmem>> -> memref<1x128xi32, #tpu.memory_space<vmem>>
      %dma_wait3A_64 = tpu.memref_squeeze %dma_wait3A_63 : memref<1x128xi32, #tpu.memory_space<vmem>> -> memref<128xi32, #tpu.memory_space<vmem>>
      %dma_wait3A_65 = tpu.memref_slice %arg3[%add3A_4] : memref<320000xi32, #tpu.memory_space<hbm>> -> memref<128xi32, #tpu.memory_space<hbm>>
      tpu.wait_dma2 semaphore(%run_scoped3A_49 : memref<!tpu.dma_semaphore, #tpu.memory_space<semaphore_mem>>) src(%dma_wait3A_65 : memref<128xi32, #tpu.memory_space<hbm>>) dst(%dma_wait3A_64 : memref<128xi32, #tpu.memory_space<vmem>>)
      tpu.yield
    }) : () -> ()
    %add3A_5 = arith.constant 0 : i32
    %add3A_6 = arith.addi %mul3A_2, %add3A_5 : i32
    %run_scoped3A_7 = arith.constant 0 : i32
    "tpu.region"() ({
      %run_scoped3A_49 = tpu.sem_alloc : memref<!tpu.dma_semaphore, #tpu.memory_space<semaphore_mem>>
      %dma_start3A_50 = arith.constant 0 : i32
      %dma_start3A_51 = tpu.memref_slice %arg8[%run_scoped3A_7, %dma_start3A_50] : memref<4x128xi32, #tpu.memory_space<vmem>> -> memref<1x128xi32, #tpu.memory_space<vmem>>
      %dma_start3A_52 = tpu.memref_squeeze %dma_start3A_51 : memref<1x128xi32, #tpu.memory_space<vmem>> -> memref<128xi32, #tpu.memory_space<vmem>>
      %dma_start3A_53 = tpu.memref_slice %arg4[%add3A_6] : memref<320000xi32, #tpu.memory_space<hbm>> -> memref<128xi32, #tpu.memory_space<hbm>>
      %dma_start3A_54 = arith.constant 0 : i32
      %dma_start3A_55 = tpu.memref_slice %arg8[%run_scoped3A_7, %dma_start3A_54] : memref<4x128xi32, #tpu.memory_space<vmem>> -> memref<1x128xi32, #tpu.memory_space<vmem>>
      %dma_start3A_56 = tpu.memref_squeeze %dma_start3A_55 : memref<1x128xi32, #tpu.memory_space<vmem>> -> memref<128xi32, #tpu.memory_space<vmem>>
      %dma_start3A_57 = tpu.memref_slice %arg4[%add3A_6] : memref<320000xi32, #tpu.memory_space<hbm>> -> memref<128xi32, #tpu.memory_space<hbm>>
      tpu.enqueue_dma source(%dma_start3A_57 : memref<128xi32, #tpu.memory_space<hbm>>) target(%dma_start3A_56 : memref<128xi32, #tpu.memory_space<vmem>>) target_semaphore(%run_scoped3A_49 : memref<!tpu.dma_semaphore, #tpu.memory_space<semaphore_mem>>)
      %dma_wait3A_58 = arith.constant 0 : i32
      %dma_wait3A_59 = tpu.memref_slice %arg8[%run_scoped3A_7, %dma_wait3A_58] : memref<4x128xi32, #tpu.memory_space<vmem>> -> memref<1x128xi32, #tpu.memory_space<vmem>>
      %dma_wait3A_60 = tpu.memref_squeeze %dma_wait3A_59 : memref<1x128xi32, #tpu.memory_space<vmem>> -> memref<128xi32, #tpu.memory_space<vmem>>
      %dma_wait3A_61 = tpu.memref_slice %arg4[%add3A_6] : memref<320000xi32, #tpu.memory_space<hbm>> -> memref<128xi32, #tpu.memory_space<hbm>>
      %dma_wait3A_62 = arith.constant 0 : i32
      %dma_wait3A_63 = tpu.memref_slice %arg8[%run_scoped3A_7, %dma_wait3A_62] : memref<4x128xi32, #tpu.memory_space<vmem>> -> memref<1x128xi32, #tpu.memory_space<vmem>>
      %dma_wait3A_64 = tpu.memref_squeeze %dma_wait3A_63 : memref<1x128xi32, #tpu.memory_space<vmem>> -> memref<128xi32, #tpu.memory_space<vmem>>
      %dma_wait3A_65 = tpu.memref_slice %arg4[%add3A_6] : memref<320000xi32, #tpu.memory_space<hbm>> -> memref<128xi32, #tpu.memory_space<hbm>>
      tpu.wait_dma2 semaphore(%run_scoped3A_49 : memref<!tpu.dma_semaphore, #tpu.memory_space<semaphore_mem>>) src(%dma_wait3A_65 : memref<128xi32, #tpu.memory_space<hbm>>) dst(%dma_wait3A_64 : memref<128xi32, #tpu.memory_space<vmem>>)
      tpu.yield
    }) : () -> ()
    %dma_start3A = arith.constant 0 : i32
    %dma_start3A_8 = arith.constant 0 : i32
    %dma_start3A_9 = tpu.memref_slice %arg7[%dma_start3A, %dma_start3A_8] : memref<4x128xi32, #tpu.memory_space<vmem>> -> memref<1x128xi32, #tpu.memory_space<vmem>>
    %dma_start3A_10 = tpu.memref_squeeze %dma_start3A_9 : memref<1x128xi32, #tpu.memory_space<vmem>> -> memref<128xi32, #tpu.memory_space<vmem>>
    %dma_start3A_11 = arith.constant 0 : i32
    %dma_start3A_12 = arith.constant 0 : i32
    %dma_start3A_13 = tpu.memref_slice %arg2[%dma_start3A_11, %dma_start3A_12] : memref<10000x128xf32, #tpu.memory_space<hbm>> -> memref<10000x128xf32, #tpu.memory_space<hbm>>
    tpu.enqueue_indirect_dma source(%dma_start3A_13 : memref<10000x128xf32, #tpu.memory_space<hbm>>) target(%arg11 : memref<128x128xf32, #tpu.memory_space<vmem>>) offsets(%dma_start3A_10 : memref<128xi32, #tpu.memory_space<vmem>>) semaphore(%arg15 : memref<!tpu.dma_semaphore, #tpu.memory_space<semaphore_mem>>)
    %add3A_14 = arith.constant 128 : i32
    %add3A_15 = arith.addi %mul3A_2, %add3A_14 : i32
    %run_scoped3A_16 = arith.constant 1 : i32
    "tpu.region"() ({
      %run_scoped3A_49 = tpu.sem_alloc : memref<!tpu.dma_semaphore, #tpu.memory_space<semaphore_mem>>
      %dma_start3A_50 = arith.constant 0 : i32
      %dma_start3A_51 = tpu.memref_slice %arg7[%run_scoped3A_16, %dma_start3A_50] : memref<4x128xi32, #tpu.memory_space<vmem>> -> memref<1x128xi32, #tpu.memory_space<vmem>>
      %dma_start3A_52 = tpu.memref_squeeze %dma_start3A_51 : memref<1x128xi32, #tpu.memory_space<vmem>> -> memref<128xi32, #tpu.memory_space<vmem>>
      %dma_start3A_53 = tpu.memref_slice %arg3[%add3A_15] : memref<320000xi32, #tpu.memory_space<hbm>> -> memref<128xi32, #tpu.memory_space<hbm>>
      %dma_start3A_54 = arith.constant 0 : i32
      %dma_start3A_55 = tpu.memref_slice %arg7[%run_scoped3A_16, %dma_start3A_54] : memref<4x128xi32, #tpu.memory_space<vmem>> -> memref<1x128xi32, #tpu.memory_space<vmem>>
      %dma_start3A_56 = tpu.memref_squeeze %dma_start3A_55 : memref<1x128xi32, #tpu.memory_space<vmem>> -> memref<128xi32, #tpu.memory_space<vmem>>
      %dma_start3A_57 = tpu.memref_slice %arg3[%add3A_15] : memref<320000xi32, #tpu.memory_space<hbm>> -> memref<128xi32, #tpu.memory_space<hbm>>
      tpu.enqueue_dma source(%dma_start3A_57 : memref<128xi32, #tpu.memory_space<hbm>>) target(%dma_start3A_56 : memref<128xi32, #tpu.memory_space<vmem>>) target_semaphore(%run_scoped3A_49 : memref<!tpu.dma_semaphore, #tpu.memory_space<semaphore_mem>>)
      %dma_wait3A_58 = arith.constant 0 : i32
      %dma_wait3A_59 = tpu.memref_slice %arg7[%run_scoped3A_16, %dma_wait3A_58] : memref<4x128xi32, #tpu.memory_space<vmem>> -> memref<1x128xi32, #tpu.memory_space<vmem>>
      %dma_wait3A_60 = tpu.memref_squeeze %dma_wait3A_59 : memref<1x128xi32, #tpu.memory_space<vmem>> -> memref<128xi32, #tpu.memory_space<vmem>>
      %dma_wait3A_61 = tpu.memref_slice %arg3[%add3A_15] : memref<320000xi32, #tpu.memory_space<hbm>> -> memref<128xi32, #tpu.memory_space<hbm>>
      %dma_wait3A_62 = arith.constant 0 : i32
      %dma_wait3A_63 = tpu.memref_slice %arg7[%run_scoped3A_16, %dma_wait3A_62] : memref<4x128xi32, #tpu.memory_space<vmem>> -> memref<1x128xi32, #tpu.memory_space<vmem>>
      %dma_wait3A_64 = tpu.memref_squeeze %dma_wait3A_63 : memref<1x128xi32, #tpu.memory_space<vmem>> -> memref<128xi32, #tpu.memory_space<vmem>>
      %dma_wait3A_65 = tpu.memref_slice %arg3[%add3A_15] : memref<320000xi32, #tpu.memory_space<hbm>> -> memref<128xi32, #tpu.memory_space<hbm>>
      tpu.wait_dma2 semaphore(%run_scoped3A_49 : memref<!tpu.dma_semaphore, #tpu.memory_space<semaphore_mem>>) src(%dma_wait3A_65 : memref<128xi32, #tpu.memory_space<hbm>>) dst(%dma_wait3A_64 : memref<128xi32, #tpu.memory_space<vmem>>)
      tpu.yield
    }) : () -> ()
    %add3A_17 = arith.constant 128 : i32
    %add3A_18 = arith.addi %mul3A_2, %add3A_17 : i32
    %run_scoped3A_19 = arith.constant 1 : i32
    "tpu.region"() ({
      %run_scoped3A_49 = tpu.sem_alloc : memref<!tpu.dma_semaphore, #tpu.memory_space<semaphore_mem>>
      %dma_start3A_50 = arith.constant 0 : i32
      %dma_start3A_51 = tpu.memref_slice %arg8[%run_scoped3A_19, %dma_start3A_50] : memref<4x128xi32, #tpu.memory_space<vmem>> -> memref<1x128xi32, #tpu.memory_space<vmem>>
      %dma_start3A_52 = tpu.memref_squeeze %dma_start3A_51 : memref<1x128xi32, #tpu.memory_space<vmem>> -> memref<128xi32, #tpu.memory_space<vmem>>
      %dma_start3A_53 = tpu.memref_slice %arg4[%add3A_18] : memref<320000xi32, #tpu.memory_space<hbm>> -> memref<128xi32, #tpu.memory_space<hbm>>
      %dma_start3A_54 = arith.constant 0 : i32
      %dma_start3A_55 = tpu.memref_slice %arg8[%run_scoped3A_19, %dma_start3A_54] : memref<4x128xi32, #tpu.memory_space<vmem>> -> memref<1x128xi32, #tpu.memory_space<vmem>>
      %dma_start3A_56 = tpu.memref_squeeze %dma_start3A_55 : memref<1x128xi32, #tpu.memory_space<vmem>> -> memref<128xi32, #tpu.memory_space<vmem>>
      %dma_start3A_57 = tpu.memref_slice %arg4[%add3A_18] : memref<320000xi32, #tpu.memory_space<hbm>> -> memref<128xi32, #tpu.memory_space<hbm>>
      tpu.enqueue_dma source(%dma_start3A_57 : memref<128xi32, #tpu.memory_space<hbm>>) target(%dma_start3A_56 : memref<128xi32, #tpu.memory_space<vmem>>) target_semaphore(%run_scoped3A_49 : memref<!tpu.dma_semaphore, #tpu.memory_space<semaphore_mem>>)
      %dma_wait3A_58 = arith.constant 0 : i32
      %dma_wait3A_59 = tpu.memref_slice %arg8[%run_scoped3A_19, %dma_wait3A_58] : memref<4x128xi32, #tpu.memory_space<vmem>> -> memref<1x128xi32, #tpu.memory_space<vmem>>
      %dma_wait3A_60 = tpu.memref_squeeze %dma_wait3A_59 : memref<1x128xi32, #tpu.memory_space<vmem>> -> memref<128xi32, #tpu.memory_space<vmem>>
      %dma_wait3A_61 = tpu.memref_slice %arg4[%add3A_18] : memref<320000xi32, #tpu.memory_space<hbm>> -> memref<128xi32, #tpu.memory_space<hbm>>
      %dma_wait3A_62 = arith.constant 0 : i32
      %dma_wait3A_63 = tpu.memref_slice %arg8[%run_scoped3A_19, %dma_wait3A_62] : memref<4x128xi32, #tpu.memory_space<vmem>> -> memref<1x128xi32, #tpu.memory_space<vmem>>
      %dma_wait3A_64 = tpu.memref_squeeze %dma_wait3A_63 : memref<1x128xi32, #tpu.memory_space<vmem>> -> memref<128xi32, #tpu.memory_space<vmem>>
      %dma_wait3A_65 = tpu.memref_slice %arg4[%add3A_18] : memref<320000xi32, #tpu.memory_space<hbm>> -> memref<128xi32, #tpu.memory_space<hbm>>
      tpu.wait_dma2 semaphore(%run_scoped3A_49 : memref<!tpu.dma_semaphore, #tpu.memory_space<semaphore_mem>>) src(%dma_wait3A_65 : memref<128xi32, #tpu.memory_space<hbm>>) dst(%dma_wait3A_64 : memref<128xi32, #tpu.memory_space<vmem>>)
      tpu.yield
    }) : () -> ()
    %dma_start3A_20 = arith.constant 1 : i32
    %dma_start3A_21 = arith.constant 0 : i32
    %dma_start3A_22 = tpu.memref_slice %arg7[%dma_start3A_20, %dma_start3A_21] : memref<4x128xi32, #tpu.memory_space<vmem>> -> memref<1x128xi32, #tpu.memory_space<vmem>>
    %dma_start3A_23 = tpu.memref_squeeze %dma_start3A_22 : memref<1x128xi32, #tpu.memory_space<vmem>> -> memref<128xi32, #tpu.memory_space<vmem>>
    %dma_start3A_24 = arith.constant 0 : i32
    %dma_start3A_25 = arith.constant 0 : i32
    %dma_start3A_26 = tpu.memref_slice %arg2[%dma_start3A_24, %dma_start3A_25] : memref<10000x128xf32, #tpu.memory_space<hbm>> -> memref<10000x128xf32, #tpu.memory_space<hbm>>
    tpu.enqueue_indirect_dma source(%dma_start3A_26 : memref<10000x128xf32, #tpu.memory_space<hbm>>) target(%arg12 : memref<128x128xf32, #tpu.memory_space<vmem>>) offsets(%dma_start3A_23 : memref<128xi32, #tpu.memory_space<vmem>>) semaphore(%arg16 : memref<!tpu.dma_semaphore, #tpu.memory_space<semaphore_mem>>)
    %add3A_27 = arith.constant 9984 : i32
    %add3A_28 = arith.addi %mul3A_2, %add3A_27 : i32
    "tpu.region"() ({
      %run_scoped3A_49 = tpu.sem_alloc : memref<!tpu.dma_semaphore, #tpu.memory_space<semaphore_mem>>
      %dma_start3A_50 = tpu.memref_slice %arg3[%add3A_28] : memref<320000xi32, #tpu.memory_space<hbm>> -> memref<16xi32, #tpu.memory_space<hbm>>
      %dma_start3A_51 = tpu.memref_slice %arg3[%add3A_28] : memref<320000xi32, #tpu.memory_space<hbm>> -> memref<16xi32, #tpu.memory_space<hbm>>
      tpu.enqueue_dma source(%dma_start3A_51 : memref<16xi32, #tpu.memory_space<hbm>>) target(%arg9 : memref<16xi32, #tpu.memory_space<vmem>>) target_semaphore(%run_scoped3A_49 : memref<!tpu.dma_semaphore, #tpu.memory_space<semaphore_mem>>)
      %dma_wait3A_52 = tpu.memref_slice %arg3[%add3A_28] : memref<320000xi32, #tpu.memory_space<hbm>> -> memref<16xi32, #tpu.memory_space<hbm>>
      %dma_wait3A_53 = tpu.memref_slice %arg3[%add3A_28] : memref<320000xi32, #tpu.memory_space<hbm>> -> memref<16xi32, #tpu.memory_space<hbm>>
      tpu.wait_dma2 semaphore(%run_scoped3A_49 : memref<!tpu.dma_semaphore, #tpu.memory_space<semaphore_mem>>) src(%dma_wait3A_53 : memref<16xi32, #tpu.memory_space<hbm>>) dst(%arg9 : memref<16xi32, #tpu.memory_space<vmem>>)
      tpu.yield
    }) : () -> ()
    "tpu.region"() ({
      %run_scoped3A_49 = tpu.sem_alloc : memref<!tpu.dma_semaphore, #tpu.memory_space<semaphore_mem>>
      %dma_start3A_50 = tpu.memref_slice %arg4[%add3A_28] : memref<320000xi32, #tpu.memory_space<hbm>> -> memref<16xi32, #tpu.memory_space<hbm>>
      %dma_start3A_51 = tpu.memref_slice %arg4[%add3A_28] : memref<320000xi32, #tpu.memory_space<hbm>> -> memref<16xi32, #tpu.memory_space<hbm>>
      tpu.enqueue_dma source(%dma_start3A_51 : memref<16xi32, #tpu.memory_space<hbm>>) target(%arg10 : memref<16xi32, #tpu.memory_space<vmem>>) target_semaphore(%run_scoped3A_49 : memref<!tpu.dma_semaphore, #tpu.memory_space<semaphore_mem>>)
      %dma_wait3A_52 = tpu.memref_slice %arg4[%add3A_28] : memref<320000xi32, #tpu.memory_space<hbm>> -> memref<16xi32, #tpu.memory_space<hbm>>
      %dma_wait3A_53 = tpu.memref_slice %arg4[%add3A_28] : memref<320000xi32, #tpu.memory_space<hbm>> -> memref<16xi32, #tpu.memory_space<hbm>>
      tpu.wait_dma2 semaphore(%run_scoped3A_49 : memref<!tpu.dma_semaphore, #tpu.memory_space<semaphore_mem>>) src(%dma_wait3A_53 : memref<16xi32, #tpu.memory_space<hbm>>) dst(%arg10 : memref<16xi32, #tpu.memory_space<vmem>>)
      tpu.yield
    }) : () -> ()
    %dma_start3A_29 = arith.constant 0 : i32
    %dma_start3A_30 = arith.constant 0 : i32
    %dma_start3A_31 = tpu.memref_slice %arg2[%dma_start3A_29, %dma_start3A_30] : memref<10000x128xf32, #tpu.memory_space<hbm>> -> memref<10000x128xf32, #tpu.memory_space<hbm>>
    tpu.enqueue_indirect_dma source(%dma_start3A_31 : memref<10000x128xf32, #tpu.memory_space<hbm>>) target(%arg13 : memref<16x128xf32, #tpu.memory_space<vmem>>) offsets(%arg9 : memref<16xi32, #tpu.memory_space<vmem>>) semaphore(%arg17 : memref<!tpu.dma_semaphore, #tpu.memory_space<semaphore_mem>>)
    %mul3A_32 = arith.constant 640 : i32
    %mul3A_33 = arith.muli %arg1, %mul3A_32 : i32
    "tpu.region"() ({
      %run_scoped3A_49 = tpu.sem_alloc : memref<!tpu.dma_semaphore, #tpu.memory_space<semaphore_mem>>
      %dma_start3A_50 = arith.constant 0 : i32
      %dma_start3A_51 = tpu.memref_slice %arg14[%mul3A_33, %dma_start3A_50] : memref<10240x128xf32, #tpu.memory_space<vmem_shared>> -> memref<640x128xf32, #tpu.memory_space<vmem_shared>>
      tpu.enqueue_dma source(%arg5 : memref<640x128xf32, #tpu.memory_space<hbm>>) target(%dma_start3A_51 : memref<640x128xf32, #tpu.memory_space<vmem_shared>>) target_semaphore(%run_scoped3A_49 : memref<!tpu.dma_semaphore, #tpu.memory_space<semaphore_mem>>)
      %dma_wait3A_52 = arith.constant 0 : i32
      %dma_wait3A_53 = tpu.memref_slice %arg14[%mul3A_33, %dma_wait3A_52] : memref<10240x128xf32, #tpu.memory_space<vmem_shared>> -> memref<640x128xf32, #tpu.memory_space<vmem_shared>>
      tpu.wait_dma2 semaphore(%run_scoped3A_49 : memref<!tpu.dma_semaphore, #tpu.memory_space<semaphore_mem>>) src(%arg5 : memref<640x128xf32, #tpu.memory_space<hbm>>) dst(%dma_wait3A_53 : memref<640x128xf32, #tpu.memory_space<vmem_shared>>)
      tpu.yield
    }) : () -> ()
    %barrier3A = arith.constant 0 : index
    tpu.barrier barrier_id(%barrier3A)
    %dma_wait3A = arith.constant 0 : i32
    %dma_wait3A_34 = arith.constant 0 : i32
    %dma_wait3A_35 = tpu.memref_slice %arg2[%dma_wait3A, %dma_wait3A_34] : memref<10000x128xf32, #tpu.memory_space<hbm>> -> memref<16x128xf32, #tpu.memory_space<hbm>>
    %dma_wait3A_36 = arith.constant 0 : i32
    %dma_wait3A_37 = arith.constant 0 : i32
    %dma_wait3A_38 = tpu.memref_slice %arg2[%dma_wait3A_36, %dma_wait3A_37] : memref<10000x128xf32, #tpu.memory_space<hbm>> -> memref<16x128xf32, #tpu.memory_space<hbm>>
    tpu.wait_dma2 semaphore(%arg17 : memref<!tpu.dma_semaphore, #tpu.memory_space<semaphore_mem>>) src(%dma_wait3A_38 : memref<16x128xf32, #tpu.memory_space<hbm>>) dst(%arg13 : memref<16x128xf32, #tpu.memory_space<vmem>>)
    "tpu.region"() ({
      %run_scoped3A_49 = tpu.sem_alloc : memref<!tpu.dma_semaphore, #tpu.memory_space<semaphore_mem>>
      %dma_start3A_50 = arith.constant 0 : i32
      %dma_start3A_51 = arith.constant 0 : i32
      %dma_start3A_52 = tpu.memref_slice %arg14[%dma_start3A_50, %dma_start3A_51] : memref<10240x128xf32, #tpu.memory_space<vmem_shared>> -> memref<10240x128xf32, #tpu.memory_space<vmem_shared>>
      tpu.enqueue_indirect_dma source(%arg13 : memref<16x128xf32, #tpu.memory_space<vmem>>) target(%dma_start3A_52 : memref<10240x128xf32, #tpu.memory_space<vmem_shared>>) offsets(%arg10 : memref<16xi32, #tpu.memory_space<vmem>>) semaphore(%run_scoped3A_49 : memref<!tpu.dma_semaphore, #tpu.memory_space<semaphore_mem>>) {add = true}
      %dma_wait3A_53 = arith.constant 0 : i32
      %dma_wait3A_54 = arith.constant 0 : i32
      %dma_wait3A_55 = tpu.memref_slice %arg14[%dma_wait3A_53, %dma_wait3A_54] : memref<10240x128xf32, #tpu.memory_space<vmem_shared>> -> memref<10240x128xf32, #tpu.memory_space<vmem_shared>>
      tpu.wait_indirect_dma semaphore(%run_scoped3A_49 : memref<!tpu.dma_semaphore, #tpu.memory_space<semaphore_mem>>) src(%arg13 : memref<16x128xf32, #tpu.memory_space<vmem>>) dst(%dma_wait3A_55 : memref<10240x128xf32, #tpu.memory_space<vmem_shared>>)
      tpu.yield
    }) : () -> ()
    %scan3A = arith.constant 0 : i32
    %scan3A_39 = arith.constant 0 : i32
    %scan3A_40 = arith.constant 39 : i32
    %scan3A_41 = arith.addi %scan3A_39, %scan3A_40 : i32
    %scan3A_42 = arith.constant 1 : i32
    scf.for %scan3A_49 = %scan3A_39 to %scan3A_41 step %scan3A_42  : i32 {
      %mul3A_50 = arith.constant 2 : i32
      %mul3A_51 = arith.muli %scan3A_49, %mul3A_50 : i32
      %add3A_52 = arith.constant 0 : i32
      %add3A_53 = arith.addi %mul3A_51, %add3A_52 : i32
      %rem3A = arith.constant 4 : i32
      %rem3A_54 = arith.remsi %add3A_53, %rem3A : i32
      %add3A_55 = arith.constant 2 : i32
      %add3A_56 = arith.addi %add3A_53, %add3A_55 : i32
      %rem3A_57 = arith.constant 4 : i32
      %rem3A_58 = arith.remsi %add3A_56, %rem3A_57 : i32
      %add3A_59 = arith.constant 2 : i32
      %add3A_60 = arith.addi %add3A_53, %add3A_59 : i32
      %lt3A = arith.constant 78 : i32
      %lt3A_61 = arith.cmpi slt, %add3A_60, %lt3A : i32
      %convert_element_type3A = arith.extui %lt3A_61 : i1 to i32
      %cond3A = arith.constant 0 : i32
      %cond3A_62 = arith.cmpi ne, %convert_element_type3A, %cond3A : i32
      scf.if %cond3A_62 {
        %add3A_106 = arith.constant 2 : i32
        %add3A_107 = arith.addi %add3A_53, %add3A_106 : i32
        %mul3A_108 = arith.constant 128 : i32
        %mul3A_109 = arith.muli %add3A_107, %mul3A_108 : i32
        %add3A_110 = arith.addi %mul3A_2, %mul3A_109 : i32
        %dma_start3A_111 = arith.constant 0 : i32
        %dma_start3A_112 = tpu.memref_slice %arg7[%rem3A_58, %dma_start3A_111] : memref<4x128xi32, #tpu.memory_space<vmem>> -> memref<1x128xi32, #tpu.memory_space<vmem>>
        %dma_start3A_113 = tpu.memref_squeeze %dma_start3A_112 : memref<1x128xi32, #tpu.memory_space<vmem>> -> memref<128xi32, #tpu.memory_space<vmem>>
        %dma_start3A_114 = tpu.memref_slice %arg3[%add3A_110] : memref<320000xi32, #tpu.memory_space<hbm>> -> memref<128xi32, #tpu.memory_space<hbm>>
        %dma_start3A_115 = arith.constant 0 : i32
        %dma_start3A_116 = tpu.memref_slice %arg7[%rem3A_58, %dma_start3A_115] : memref<4x128xi32, #tpu.memory_space<vmem>> -> memref<1x128xi32, #tpu.memory_space<vmem>>
        %dma_start3A_117 = tpu.memref_squeeze %dma_start3A_116 : memref<1x128xi32, #tpu.memory_space<vmem>> -> memref<128xi32, #tpu.memory_space<vmem>>
        %dma_start3A_118 = tpu.memref_slice %arg3[%add3A_110] : memref<320000xi32, #tpu.memory_space<hbm>> -> memref<128xi32, #tpu.memory_space<hbm>>
        tpu.enqueue_dma source(%dma_start3A_118 : memref<128xi32, #tpu.memory_space<hbm>>) target(%dma_start3A_117 : memref<128xi32, #tpu.memory_space<vmem>>) target_semaphore(%arg17 : memref<!tpu.dma_semaphore, #tpu.memory_space<semaphore_mem>>)
        %add3A_119 = arith.constant 2 : i32
        %add3A_120 = arith.addi %add3A_53, %add3A_119 : i32
        %mul3A_121 = arith.constant 128 : i32
        %mul3A_122 = arith.muli %add3A_120, %mul3A_121 : i32
        %add3A_123 = arith.addi %mul3A_2, %mul3A_122 : i32
        %dma_start3A_124 = arith.constant 0 : i32
        %dma_start3A_125 = tpu.memref_slice %arg8[%rem3A_58, %dma_start3A_124] : memref<4x128xi32, #tpu.memory_space<vmem>> -> memref<1x128xi32, #tpu.memory_space<vmem>>
        %dma_start3A_126 = tpu.memref_squeeze %dma_start3A_125 : memref<1x128xi32, #tpu.memory_space<vmem>> -> memref<128xi32, #tpu.memory_space<vmem>>
        %dma_start3A_127 = tpu.memref_slice %arg4[%add3A_123] : memref<320000xi32, #tpu.memory_space<hbm>> -> memref<128xi32, #tpu.memory_space<hbm>>
        %dma_start3A_128 = arith.constant 0 : i32
        %dma_start3A_129 = tpu.memref_slice %arg8[%rem3A_58, %dma_start3A_128] : memref<4x128xi32, #tpu.memory_space<vmem>> -> memref<1x128xi32, #tpu.memory_space<vmem>>
        %dma_start3A_130 = tpu.memref_squeeze %dma_start3A_129 : memref<1x128xi32, #tpu.memory_space<vmem>> -> memref<128xi32, #tpu.memory_space<vmem>>
        %dma_start3A_131 = tpu.memref_slice %arg4[%add3A_123] : memref<320000xi32, #tpu.memory_space<hbm>> -> memref<128xi32, #tpu.memory_space<hbm>>
        tpu.enqueue_dma source(%dma_start3A_131 : memref<128xi32, #tpu.memory_space<hbm>>) target(%dma_start3A_130 : memref<128xi32, #tpu.memory_space<vmem>>) target_semaphore(%arg17 : memref<!tpu.dma_semaphore, #tpu.memory_space<semaphore_mem>>)
      } else {
      }
      %dma_wait3A_63 = arith.constant 0 : i32
      %dma_wait3A_64 = arith.constant 0 : i32
      %dma_wait3A_65 = tpu.memref_slice %arg2[%dma_wait3A_63, %dma_wait3A_64] : memref<10000x128xf32, #tpu.memory_space<hbm>> -> memref<128x128xf32, #tpu.memory_space<hbm>>
      %dma_wait3A_66 = arith.constant 0 : i32
      %dma_wait3A_67 = arith.constant 0 : i32
      %dma_wait3A_68 = tpu.memref_slice %arg2[%dma_wait3A_66, %dma_wait3A_67] : memref<10000x128xf32, #tpu.memory_space<hbm>> -> memref<128x128xf32, #tpu.memory_space<hbm>>
      tpu.wait_dma2 semaphore(%arg15 : memref<!tpu.dma_semaphore, #tpu.memory_space<semaphore_mem>>) src(%dma_wait3A_68 : memref<128x128xf32, #tpu.memory_space<hbm>>) dst(%arg11 : memref<128x128xf32, #tpu.memory_space<vmem>>)
      "tpu.region"() ({
        %run_scoped3A_106 = tpu.sem_alloc : memref<!tpu.dma_semaphore, #tpu.memory_space<semaphore_mem>>
        %dma_start3A_107 = arith.constant 0 : i32
        %dma_start3A_108 = tpu.memref_slice %arg8[%rem3A_54, %dma_start3A_107] : memref<4x128xi32, #tpu.memory_space<vmem>> -> memref<1x128xi32, #tpu.memory_space<vmem>>
        %dma_start3A_109 = tpu.memref_squeeze %dma_start3A_108 : memref<1x128xi32, #tpu.memory_space<vmem>> -> memref<128xi32, #tpu.memory_space<vmem>>
        %dma_start3A_110 = arith.constant 0 : i32
        %dma_start3A_111 = arith.constant 0 : i32
        %dma_start3A_112 = tpu.memref_slice %arg14[%dma_start3A_110, %dma_start3A_111] : memref<10240x128xf32, #tpu.memory_space<vmem_shared>> -> memref<10240x128xf32, #tpu.memory_space<vmem_shared>>
        tpu.enqueue_indirect_dma source(%arg11 : memref<128x128xf32, #tpu.memory_space<vmem>>) target(%dma_start3A_112 : memref<10240x128xf32, #tpu.memory_space<vmem_shared>>) offsets(%dma_start3A_109 : memref<128xi32, #tpu.memory_space<vmem>>) semaphore(%run_scoped3A_106 : memref<!tpu.dma_semaphore, #tpu.memory_space<semaphore_mem>>) {add = true}
        %dma_wait3A_113 = arith.constant 0 : i32
        %dma_wait3A_114 = tpu.memref_slice %arg8[%rem3A_54, %dma_wait3A_113] : memref<4x128xi32, #tpu.memory_space<vmem>> -> memref<1x128xi32, #tpu.memory_space<vmem>>
        %dma_wait3A_115 = tpu.memref_squeeze %dma_wait3A_114 : memref<1x128xi32, #tpu.memory_space<vmem>> -> memref<128xi32, #tpu.memory_space<vmem>>
        %dma_wait3A_116 = arith.constant 0 : i32
        %dma_wait3A_117 = arith.constant 0 : i32
        %dma_wait3A_118 = tpu.memref_slice %arg14[%dma_wait3A_116, %dma_wait3A_117] : memref<10240x128xf32, #tpu.memory_space<vmem_shared>> -> memref<10240x128xf32, #tpu.memory_space<vmem_shared>>
        tpu.wait_indirect_dma semaphore(%run_scoped3A_106 : memref<!tpu.dma_semaphore, #tpu.memory_space<semaphore_mem>>) src(%arg11 : memref<128x128xf32, #tpu.memory_space<vmem>>) dst(%dma_wait3A_118 : memref<10240x128xf32, #tpu.memory_space<vmem_shared>>)
        tpu.yield
      }) : () -> ()
      %add3A_69 = arith.constant 2 : i32
      %add3A_70 = arith.addi %add3A_53, %add3A_69 : i32
      %lt3A_71 = arith.constant 78 : i32
      %lt3A_72 = arith.cmpi slt, %add3A_70, %lt3A_71 : i32
      %convert_element_type3A_73 = arith.extui %lt3A_72 : i1 to i32
      %cond3A_74 = arith.constant 0 : i32
      %cond3A_75 = arith.cmpi ne, %convert_element_type3A_73, %cond3A_74 : i32
      scf.if %cond3A_75 {
        %dma_wait3A_106 = arith.constant 0 : i32
        %dma_wait3A_107 = tpu.memref_slice %arg7[%rem3A_58, %dma_wait3A_106] : memref<4x128xi32, #tpu.memory_space<vmem>> -> memref<1x128xi32, #tpu.memory_space<vmem>>
        %dma_wait3A_108 = tpu.memref_squeeze %dma_wait3A_107 : memref<1x128xi32, #tpu.memory_space<vmem>> -> memref<128xi32, #tpu.memory_space<vmem>>
        %dma_wait3A_109 = arith.constant 0 : i32
        %dma_wait3A_110 = tpu.memref_slice %arg3[%dma_wait3A_109] : memref<320000xi32, #tpu.memory_space<hbm>> -> memref<128xi32, #tpu.memory_space<hbm>>
        %dma_wait3A_111 = arith.constant 0 : i32
        %dma_wait3A_112 = tpu.memref_slice %arg7[%rem3A_58, %dma_wait3A_111] : memref<4x128xi32, #tpu.memory_space<vmem>> -> memref<1x128xi32, #tpu.memory_space<vmem>>
        %dma_wait3A_113 = tpu.memref_squeeze %dma_wait3A_112 : memref<1x128xi32, #tpu.memory_space<vmem>> -> memref<128xi32, #tpu.memory_space<vmem>>
        %dma_wait3A_114 = arith.constant 0 : i32
        %dma_wait3A_115 = tpu.memref_slice %arg3[%dma_wait3A_114] : memref<320000xi32, #tpu.memory_space<hbm>> -> memref<128xi32, #tpu.memory_space<hbm>>
        tpu.wait_dma2 semaphore(%arg17 : memref<!tpu.dma_semaphore, #tpu.memory_space<semaphore_mem>>) src(%dma_wait3A_115 : memref<128xi32, #tpu.memory_space<hbm>>) dst(%dma_wait3A_113 : memref<128xi32, #tpu.memory_space<vmem>>)
        %dma_wait3A_116 = arith.constant 0 : i32
        %dma_wait3A_117 = tpu.memref_slice %arg8[%rem3A_58, %dma_wait3A_116] : memref<4x128xi32, #tpu.memory_space<vmem>> -> memref<1x128xi32, #tpu.memory_space<vmem>>
        %dma_wait3A_118 = tpu.memref_squeeze %dma_wait3A_117 : memref<1x128xi32, #tpu.memory_space<vmem>> -> memref<128xi32, #tpu.memory_space<vmem>>
        %dma_wait3A_119 = arith.constant 0 : i32
        %dma_wait3A_120 = tpu.memref_slice %arg3[%dma_wait3A_119] : memref<320000xi32, #tpu.memory_space<hbm>> -> memref<128xi32, #tpu.memory_space<hbm>>
        %dma_wait3A_121 = arith.constant 0 : i32
        %dma_wait3A_122 = tpu.memref_slice %arg8[%rem3A_58, %dma_wait3A_121] : memref<4x128xi32, #tpu.memory_space<vmem>> -> memref<1x128xi32, #tpu.memory_space<vmem>>
        %dma_wait3A_123 = tpu.memref_squeeze %dma_wait3A_122 : memref<1x128xi32, #tpu.memory_space<vmem>> -> memref<128xi32, #tpu.memory_space<vmem>>
        %dma_wait3A_124 = arith.constant 0 : i32
        %dma_wait3A_125 = tpu.memref_slice %arg3[%dma_wait3A_124] : memref<320000xi32, #tpu.memory_space<hbm>> -> memref<128xi32, #tpu.memory_space<hbm>>
        tpu.wait_dma2 semaphore(%arg17 : memref<!tpu.dma_semaphore, #tpu.memory_space<semaphore_mem>>) src(%dma_wait3A_125 : memref<128xi32, #tpu.memory_space<hbm>>) dst(%dma_wait3A_123 : memref<128xi32, #tpu.memory_space<vmem>>)
        %dma_start3A_126 = arith.constant 0 : i32
        %dma_start3A_127 = tpu.memref_slice %arg7[%rem3A_58, %dma_start3A_126] : memref<4x128xi32, #tpu.memory_space<vmem>> -> memref<1x128xi32, #tpu.memory_space<vmem>>
        %dma_start3A_128 = tpu.memref_squeeze %dma_start3A_127 : memref<1x128xi32, #tpu.memory_space<vmem>> -> memref<128xi32, #tpu.memory_space<vmem>>
        %dma_start3A_129 = arith.constant 0 : i32
        %dma_start3A_130 = arith.constant 0 : i32
        %dma_start3A_131 = tpu.memref_slice %arg2[%dma_start3A_129, %dma_start3A_130] : memref<10000x128xf32, #tpu.memory_space<hbm>> -> memref<10000x128xf32, #tpu.memory_space<hbm>>
        tpu.enqueue_indirect_dma source(%dma_start3A_131 : memref<10000x128xf32, #tpu.memory_space<hbm>>) target(%arg11 : memref<128x128xf32, #tpu.memory_space<vmem>>) offsets(%dma_start3A_128 : memref<128xi32, #tpu.memory_space<vmem>>) semaphore(%arg15 : memref<!tpu.dma_semaphore, #tpu.memory_space<semaphore_mem>>)
      } else {
      }
      %mul3A_76 = arith.constant 2 : i32
      %mul3A_77 = arith.muli %scan3A_49, %mul3A_76 : i32
      %add3A_78 = arith.constant 1 : i32
      %add3A_79 = arith.addi %mul3A_77, %add3A_78 : i32
      %rem3A_80 = arith.constant 4 : i32
      %rem3A_81 = arith.remsi %add3A_79, %rem3A_80 : i32
      %add3A_82 = arith.constant 2 : i32
      %add3A_83 = arith.addi %add3A_79, %add3A_82 : i32
      %rem3A_84 = arith.constant 4 : i32
      %rem3A_85 = arith.remsi %add3A_83, %rem3A_84 : i32
      %add3A_86 = arith.constant 2 : i32
      %add3A_87 = arith.addi %add3A_79, %add3A_86 : i32
      %lt3A_88 = arith.constant 78 : i32
      %lt3A_89 = arith.cmpi slt, %add3A_87, %lt3A_88 : i32
      %convert_element_type3A_90 = arith.extui %lt3A_89 : i1 to i32
      %cond3A_91 = arith.constant 0 : i32
      %cond3A_92 = arith.cmpi ne, %convert_element_type3A_90, %cond3A_91 : i32
      scf.if %cond3A_92 {
        %add3A_106 = arith.constant 2 : i32
        %add3A_107 = arith.addi %add3A_79, %add3A_106 : i32
        %mul3A_108 = arith.constant 128 : i32
        %mul3A_109 = arith.muli %add3A_107, %mul3A_108 : i32
        %add3A_110 = arith.addi %mul3A_2, %mul3A_109 : i32
        %dma_start3A_111 = arith.constant 0 : i32
        %dma_start3A_112 = tpu.memref_slice %arg7[%rem3A_85, %dma_start3A_111] : memref<4x128xi32, #tpu.memory_space<vmem>> -> memref<1x128xi32, #tpu.memory_space<vmem>>
        %dma_start3A_113 = tpu.memref_squeeze %dma_start3A_112 : memref<1x128xi32, #tpu.memory_space<vmem>> -> memref<128xi32, #tpu.memory_space<vmem>>
        %dma_start3A_114 = tpu.memref_slice %arg3[%add3A_110] : memref<320000xi32, #tpu.memory_space<hbm>> -> memref<128xi32, #tpu.memory_space<hbm>>
        %dma_start3A_115 = arith.constant 0 : i32
        %dma_start3A_116 = tpu.memref_slice %arg7[%rem3A_85, %dma_start3A_115] : memref<4x128xi32, #tpu.memory_space<vmem>> -> memref<1x128xi32, #tpu.memory_space<vmem>>
        %dma_start3A_117 = tpu.memref_squeeze %dma_start3A_116 : memref<1x128xi32, #tpu.memory_space<vmem>> -> memref<128xi32, #tpu.memory_space<vmem>>
        %dma_start3A_118 = tpu.memref_slice %arg3[%add3A_110] : memref<320000xi32, #tpu.memory_space<hbm>> -> memref<128xi32, #tpu.memory_space<hbm>>
        tpu.enqueue_dma source(%dma_start3A_118 : memref<128xi32, #tpu.memory_space<hbm>>) target(%dma_start3A_117 : memref<128xi32, #tpu.memory_space<vmem>>) target_semaphore(%arg17 : memref<!tpu.dma_semaphore, #tpu.memory_space<semaphore_mem>>)
        %add3A_119 = arith.constant 2 : i32
        %add3A_120 = arith.addi %add3A_79, %add3A_119 : i32
        %mul3A_121 = arith.constant 128 : i32
        %mul3A_122 = arith.muli %add3A_120, %mul3A_121 : i32
        %add3A_123 = arith.addi %mul3A_2, %mul3A_122 : i32
        %dma_start3A_124 = arith.constant 0 : i32
        %dma_start3A_125 = tpu.memref_slice %arg8[%rem3A_85, %dma_start3A_124] : memref<4x128xi32, #tpu.memory_space<vmem>> -> memref<1x128xi32, #tpu.memory_space<vmem>>
        %dma_start3A_126 = tpu.memref_squeeze %dma_start3A_125 : memref<1x128xi32, #tpu.memory_space<vmem>> -> memref<128xi32, #tpu.memory_space<vmem>>
        %dma_start3A_127 = tpu.memref_slice %arg4[%add3A_123] : memref<320000xi32, #tpu.memory_space<hbm>> -> memref<128xi32, #tpu.memory_space<hbm>>
        %dma_start3A_128 = arith.constant 0 : i32
        %dma_start3A_129 = tpu.memref_slice %arg8[%rem3A_85, %dma_start3A_128] : memref<4x128xi32, #tpu.memory_space<vmem>> -> memref<1x128xi32, #tpu.memory_space<vmem>>
        %dma_start3A_130 = tpu.memref_squeeze %dma_start3A_129 : memref<1x128xi32, #tpu.memory_space<vmem>> -> memref<128xi32, #tpu.memory_space<vmem>>
        %dma_start3A_131 = tpu.memref_slice %arg4[%add3A_123] : memref<320000xi32, #tpu.memory_space<hbm>> -> memref<128xi32, #tpu.memory_space<hbm>>
        tpu.enqueue_dma source(%dma_start3A_131 : memref<128xi32, #tpu.memory_space<hbm>>) target(%dma_start3A_130 : memref<128xi32, #tpu.memory_space<vmem>>) target_semaphore(%arg17 : memref<!tpu.dma_semaphore, #tpu.memory_space<semaphore_mem>>)
      } else {
      }
      %dma_wait3A_93 = arith.constant 0 : i32
      %dma_wait3A_94 = arith.constant 0 : i32
      %dma_wait3A_95 = tpu.memref_slice %arg2[%dma_wait3A_93, %dma_wait3A_94] : memref<10000x128xf32, #tpu.memory_space<hbm>> -> memref<128x128xf32, #tpu.memory_space<hbm>>
      %dma_wait3A_96 = arith.constant 0 : i32
      %dma_wait3A_97 = arith.constant 0 : i32
      %dma_wait3A_98 = tpu.memref_slice %arg2[%dma_wait3A_96, %dma_wait3A_97] : memref<10000x128xf32, #tpu.memory_space<hbm>> -> memref<128x128xf32, #tpu.memory_space<hbm>>
      tpu.wait_dma2 semaphore(%arg16 : memref<!tpu.dma_semaphore, #tpu.memory_space<semaphore_mem>>) src(%dma_wait3A_98 : memref<128x128xf32, #tpu.memory_space<hbm>>) dst(%arg12 : memref<128x128xf32, #tpu.memory_space<vmem>>)
      "tpu.region"() ({
        %run_scoped3A_106 = tpu.sem_alloc : memref<!tpu.dma_semaphore, #tpu.memory_space<semaphore_mem>>
        %dma_start3A_107 = arith.constant 0 : i32
        %dma_start3A_108 = tpu.memref_slice %arg8[%rem3A_81, %dma_start3A_107] : memref<4x128xi32, #tpu.memory_space<vmem>> -> memref<1x128xi32, #tpu.memory_space<vmem>>
        %dma_start3A_109 = tpu.memref_squeeze %dma_start3A_108 : memref<1x128xi32, #tpu.memory_space<vmem>> -> memref<128xi32, #tpu.memory_space<vmem>>
        %dma_start3A_110 = arith.constant 0 : i32
        %dma_start3A_111 = arith.constant 0 : i32
        %dma_start3A_112 = tpu.memref_slice %arg14[%dma_start3A_110, %dma_start3A_111] : memref<10240x128xf32, #tpu.memory_space<vmem_shared>> -> memref<10240x128xf32, #tpu.memory_space<vmem_shared>>
        tpu.enqueue_indirect_dma source(%arg12 : memref<128x128xf32, #tpu.memory_space<vmem>>) target(%dma_start3A_112 : memref<10240x128xf32, #tpu.memory_space<vmem_shared>>) offsets(%dma_start3A_109 : memref<128xi32, #tpu.memory_space<vmem>>) semaphore(%run_scoped3A_106 : memref<!tpu.dma_semaphore, #tpu.memory_space<semaphore_mem>>) {add = true}
        %dma_wait3A_113 = arith.constant 0 : i32
        %dma_wait3A_114 = tpu.memref_slice %arg8[%rem3A_81, %dma_wait3A_113] : memref<4x128xi32, #tpu.memory_space<vmem>> -> memref<1x128xi32, #tpu.memory_space<vmem>>
        %dma_wait3A_115 = tpu.memref_squeeze %dma_wait3A_114 : memref<1x128xi32, #tpu.memory_space<vmem>> -> memref<128xi32, #tpu.memory_space<vmem>>
        %dma_wait3A_116 = arith.constant 0 : i32
        %dma_wait3A_117 = arith.constant 0 : i32
        %dma_wait3A_118 = tpu.memref_slice %arg14[%dma_wait3A_116, %dma_wait3A_117] : memref<10240x128xf32, #tpu.memory_space<vmem_shared>> -> memref<10240x128xf32, #tpu.memory_space<vmem_shared>>
        tpu.wait_indirect_dma semaphore(%run_scoped3A_106 : memref<!tpu.dma_semaphore, #tpu.memory_space<semaphore_mem>>) src(%arg12 : memref<128x128xf32, #tpu.memory_space<vmem>>) dst(%dma_wait3A_118 : memref<10240x128xf32, #tpu.memory_space<vmem_shared>>)
        tpu.yield
      }) : () -> ()
      %add3A_99 = arith.constant 2 : i32
      %add3A_100 = arith.addi %add3A_79, %add3A_99 : i32
      %lt3A_101 = arith.constant 78 : i32
      %lt3A_102 = arith.cmpi slt, %add3A_100, %lt3A_101 : i32
      %convert_element_type3A_103 = arith.extui %lt3A_102 : i1 to i32
      %cond3A_104 = arith.constant 0 : i32
      %cond3A_105 = arith.cmpi ne, %convert_element_type3A_103, %cond3A_104 : i32
      scf.if %cond3A_105 {
        %dma_wait3A_106 = arith.constant 0 : i32
        %dma_wait3A_107 = tpu.memref_slice %arg7[%rem3A_85, %dma_wait3A_106] : memref<4x128xi32, #tpu.memory_space<vmem>> -> memref<1x128xi32, #tpu.memory_space<vmem>>
        %dma_wait3A_108 = tpu.memref_squeeze %dma_wait3A_107 : memref<1x128xi32, #tpu.memory_space<vmem>> -> memref<128xi32, #tpu.memory_space<vmem>>
        %dma_wait3A_109 = arith.constant 0 : i32
        %dma_wait3A_110 = tpu.memref_slice %arg3[%dma_wait3A_109] : memref<320000xi32, #tpu.memory_space<hbm>> -> memref<128xi32, #tpu.memory_space<hbm>>
        %dma_wait3A_111 = arith.constant 0 : i32
        %dma_wait3A_112 = tpu.memref_slice %arg7[%rem3A_85, %dma_wait3A_111] : memref<4x128xi32, #tpu.memory_space<vmem>> -> memref<1x128xi32, #tpu.memory_space<vmem>>
        %dma_wait3A_113 = tpu.memref_squeeze %dma_wait3A_112 : memref<1x128xi32, #tpu.memory_space<vmem>> -> memref<128xi32, #tpu.memory_space<vmem>>
        %dma_wait3A_114 = arith.constant 0 : i32
        %dma_wait3A_115 = tpu.memref_slice %arg3[%dma_wait3A_114] : memref<320000xi32, #tpu.memory_space<hbm>> -> memref<128xi32, #tpu.memory_space<hbm>>
        tpu.wait_dma2 semaphore(%arg17 : memref<!tpu.dma_semaphore, #tpu.memory_space<semaphore_mem>>) src(%dma_wait3A_115 : memref<128xi32, #tpu.memory_space<hbm>>) dst(%dma_wait3A_113 : memref<128xi32, #tpu.memory_space<vmem>>)
        %dma_wait3A_116 = arith.constant 0 : i32
        %dma_wait3A_117 = tpu.memref_slice %arg8[%rem3A_85, %dma_wait3A_116] : memref<4x128xi32, #tpu.memory_space<vmem>> -> memref<1x128xi32, #tpu.memory_space<vmem>>
        %dma_wait3A_118 = tpu.memref_squeeze %dma_wait3A_117 : memref<1x128xi32, #tpu.memory_space<vmem>> -> memref<128xi32, #tpu.memory_space<vmem>>
        %dma_wait3A_119 = arith.constant 0 : i32
        %dma_wait3A_120 = tpu.memref_slice %arg3[%dma_wait3A_119] : memref<320000xi32, #tpu.memory_space<hbm>> -> memref<128xi32, #tpu.memory_space<hbm>>
        %dma_wait3A_121 = arith.constant 0 : i32
        %dma_wait3A_122 = tpu.memref_slice %arg8[%rem3A_85, %dma_wait3A_121] : memref<4x128xi32, #tpu.memory_space<vmem>> -> memref<1x128xi32, #tpu.memory_space<vmem>>
        %dma_wait3A_123 = tpu.memref_squeeze %dma_wait3A_122 : memref<1x128xi32, #tpu.memory_space<vmem>> -> memref<128xi32, #tpu.memory_space<vmem>>
        %dma_wait3A_124 = arith.constant 0 : i32
        %dma_wait3A_125 = tpu.memref_slice %arg3[%dma_wait3A_124] : memref<320000xi32, #tpu.memory_space<hbm>> -> memref<128xi32, #tpu.memory_space<hbm>>
        tpu.wait_dma2 semaphore(%arg17 : memref<!tpu.dma_semaphore, #tpu.memory_space<semaphore_mem>>) src(%dma_wait3A_125 : memref<128xi32, #tpu.memory_space<hbm>>) dst(%dma_wait3A_123 : memref<128xi32, #tpu.memory_space<vmem>>)
        %dma_start3A_126 = arith.constant 0 : i32
        %dma_start3A_127 = tpu.memref_slice %arg7[%rem3A_85, %dma_start3A_126] : memref<4x128xi32, #tpu.memory_space<vmem>> -> memref<1x128xi32, #tpu.memory_space<vmem>>
        %dma_start3A_128 = tpu.memref_squeeze %dma_start3A_127 : memref<1x128xi32, #tpu.memory_space<vmem>> -> memref<128xi32, #tpu.memory_space<vmem>>
        %dma_start3A_129 = arith.constant 0 : i32
        %dma_start3A_130 = arith.constant 0 : i32
        %dma_start3A_131 = tpu.memref_slice %arg2[%dma_start3A_129, %dma_start3A_130] : memref<10000x128xf32, #tpu.memory_space<hbm>> -> memref<10000x128xf32, #tpu.memory_space<hbm>>
        tpu.enqueue_indirect_dma source(%dma_start3A_131 : memref<10000x128xf32, #tpu.memory_space<hbm>>) target(%arg12 : memref<128x128xf32, #tpu.memory_space<vmem>>) offsets(%dma_start3A_128 : memref<128xi32, #tpu.memory_space<vmem>>) semaphore(%arg16 : memref<!tpu.dma_semaphore, #tpu.memory_space<semaphore_mem>>)
      } else {
      }
    }
    %scan3A_43 = arith.constant 39 : i32
    %barrier3A_44 = arith.constant 0 : index
    tpu.barrier barrier_id(%barrier3A_44)
    %mul3A_45 = arith.constant 640 : i32
    %mul3A_46 = arith.muli %arg1, %mul3A_45 : i32
    %mul3A_47 = arith.constant 640 : i32
    %mul3A_48 = arith.muli %arg1, %mul3A_47 : i32
    "tpu.region"() ({
      %run_scoped3A_49 = tpu.sem_alloc : memref<!tpu.dma_semaphore, #tpu.memory_space<semaphore_mem>>
      %dma_start3A_50 = arith.constant 0 : i32
      %dma_start3A_51 = tpu.memref_slice %arg6[%arg0, %mul3A_48, %dma_start3A_50] : memref<2x10240x128xf32, #tpu.memory_space<hbm>> -> memref<1x640x128xf32, #tpu.memory_space<hbm>>
      %dma_start3A_52 = tpu.memref_squeeze %dma_start3A_51 : memref<1x640x128xf32, #tpu.memory_space<hbm>> -> memref<640x128xf32, #tpu.memory_space<hbm>>
      %dma_start3A_53 = arith.constant 0 : i32
      %dma_start3A_54 = tpu.memref_slice %arg14[%mul3A_46, %dma_start3A_53] : memref<10240x128xf32, #tpu.memory_space<vmem_shared>> -> memref<640x128xf32, #tpu.memory_space<vmem_shared>>
      tpu.enqueue_dma source(%dma_start3A_54 : memref<640x128xf32, #tpu.memory_space<vmem_shared>>) target(%dma_start3A_52 : memref<640x128xf32, #tpu.memory_space<hbm>>) target_semaphore(%run_scoped3A_49 : memref<!tpu.dma_semaphore, #tpu.memory_space<semaphore_mem>>)
      %dma_wait3A_55 = arith.constant 0 : i32
      %dma_wait3A_56 = tpu.memref_slice %arg6[%arg0, %mul3A_48, %dma_wait3A_55] : memref<2x10240x128xf32, #tpu.memory_space<hbm>> -> memref<1x640x128xf32, #tpu.memory_space<hbm>>
      %dma_wait3A_57 = tpu.memref_squeeze %dma_wait3A_56 : memref<1x640x128xf32, #tpu.memory_space<hbm>> -> memref<640x128xf32, #tpu.memory_space<hbm>>
      %dma_wait3A_58 = arith.constant 0 : i32
      %dma_wait3A_59 = tpu.memref_slice %arg14[%mul3A_46, %dma_wait3A_58] : memref<10240x128xf32, #tpu.memory_space<vmem_shared>> -> memref<640x128xf32, #tpu.memory_space<vmem_shared>>
      tpu.wait_dma2 semaphore(%run_scoped3A_49 : memref<!tpu.dma_semaphore, #tpu.memory_space<semaphore_mem>>) src(%dma_wait3A_59 : memref<640x128xf32, #tpu.memory_space<vmem_shared>>) dst(%dma_wait3A_57 : memref<640x128xf32, #tpu.memory_space<hbm>>)
      tpu.yield
    }) : () -> ()
    return
  }
}

module attributes {stable_mosaic.version = 14 : i64} {
  func.func @_lin_body(%arg0: i32, %arg1: memref<5000x128xf32, #tpu.memory_space<vmem>>, %arg2: memref<128x128xf32, #tpu.memory_space<vmem>>, %arg3: memref<1x128xf32, #tpu.memory_space<vmem>>, %arg4: memref<5000x128xf32, #tpu.memory_space<vmem>>) attributes {dimension_semantics = [#tpu.dimension_semantics<arbitrary>], iteration_bounds = array<i64: 2>, scalar_prefetch = 0 : i64, scratch_operands = 0 : i64, tpu.core_type = #tpu.core_type<tc>, window_params = [{transform_indices = @transform_0, window_bounds = array<i64: 5000, 128>}, {pipeline_mode = #tpu.pipeline_mode<synchronous>, transform_indices = @transform_1, window_bounds = array<i64: 128, 128>}, {pipeline_mode = #tpu.pipeline_mode<synchronous>, transform_indices = @transform_2, window_bounds = array<i64: 1, 128>}, {transform_indices = @transform_3, window_bounds = array<i64: 5000, 128>}]} {
    %get3A = arith.constant 0 : index
    %get3A_0 = arith.constant 0 : index
    %get3A_1 = vector.load %arg1[%get3A, %get3A_0] : memref<5000x128xf32, #tpu.memory_space<vmem>>, vector<5000x128xf32>
    %get3A_2 = arith.constant 0 : index
    %get3A_3 = arith.constant 0 : index
    %get3A_4 = vector.load %arg2[%get3A_2, %get3A_3] : memref<128x128xf32, #tpu.memory_space<vmem>>, vector<128x128xf32>
    %dot_general3A = arith.constant dense<0.000000e+00> : vector<5000x128xf32>
    %dot_general3A_5 = tpu.matmul %get3A_1, %get3A_4, %dot_general3A {dimension_numbers = #tpu.dot_dimension_numbers<[1], [0], [0], [1], [0, 0, 1, 1], [], []>, transpose_lhs_hint = false} : vector<5000x128xf32>, vector<128x128xf32>, vector<5000x128xf32> -> vector<5000x128xf32>
    %get3A_6 = arith.constant 0 : index
    %get3A_7 = arith.constant 0 : index
    %get3A_8 = vector.load %arg3[%get3A_6, %get3A_7] : memref<1x128xf32, #tpu.memory_space<vmem>>, vector<1x128xf32>
    %add3A = vector.broadcast %get3A_8 : vector<1x128xf32> to vector<5000x128xf32>
    %add3A_9 = arith.addf %dot_general3A_5, %add3A : vector<5000x128xf32>
    %swap3A = arith.constant 0 : index
    %swap3A_10 = arith.constant 0 : index
    %swap3A_11 = vector.load %arg4[%swap3A, %swap3A_10] : memref<5000x128xf32, #tpu.memory_space<vmem>>, vector<5000x128xf32>
    tpu.vector_store %arg4[%swap3A, %swap3A_10], %add3A_9 {strides = array<i32>} : memref<5000x128xf32, #tpu.memory_space<vmem>>, vector<5000x128xf32>,
    return
  }
  func.func @transform_0(%arg0: i32) -> (i32, i32) {
    %c0_i32 = arith.constant 0 : i32
    %c0_i32_0 = arith.constant 0 : i32
    return %arg0, %c0_i32 : i32, i32
  }
  func.func @transform_1(%arg0: i32) -> (i32, i32) {
    %c0_i32 = arith.constant 0 : i32
    %c0_i32_0 = arith.constant 0 : i32
    %c0_i32_1 = arith.constant 0 : i32
    return %c0_i32, %c0_i32_0 : i32, i32
  }
  func.func @transform_2(%arg0: i32) -> (i32, i32) {
    %c0_i32 = arith.constant 0 : i32
    %c0_i32_0 = arith.constant 0 : i32
    %c0_i32_1 = arith.constant 0 : i32
    return %c0_i32, %c0_i32_0 : i32, i32
  }
  func.func @transform_3(%arg0: i32) -> (i32, i32) {
    %c0_i32 = arith.constant 0 : i32
    %c0_i32_0 = arith.constant 0 : i32
    return %arg0, %c0_i32 : i32, i32
  }
}

module attributes {stable_mosaic.version = 14 : i64} {
  func.func @_mlp_body(%arg0: i32, %arg1: memref<5000x128xf32, #tpu.memory_space<vmem>>, %arg2: memref<1x5000x128xf32, #tpu.memory_space<vmem>>, %arg3: memref<1x5000x128xf32, #tpu.memory_space<vmem>>, %arg4: memref<1x128xf32, #tpu.memory_space<vmem>>, %arg5: memref<128x128xf32, #tpu.memory_space<vmem>>, %arg6: memref<1x128xf32, #tpu.memory_space<vmem>>, %arg7: memref<128x128xf32, #tpu.memory_space<vmem>>, %arg8: memref<1x128xf32, #tpu.memory_space<vmem>>, %arg9: memref<5000x128xf32, #tpu.memory_space<vmem>>) attributes {dimension_semantics = [#tpu.dimension_semantics<arbitrary>], iteration_bounds = array<i64: 2>, scalar_prefetch = 0 : i64, scratch_operands = 0 : i64, tpu.core_type = #tpu.core_type<tc>, window_params = [{transform_indices = @transform_0, window_bounds = array<i64: 5000, 128>}, {transform_indices = @transform_1, window_bounds = array<i64: 1, 5000, 128>}, {transform_indices = @transform_2, window_bounds = array<i64: 1, 5000, 128>}, {pipeline_mode = #tpu.pipeline_mode<synchronous>, transform_indices = @transform_3, window_bounds = array<i64: 1, 128>}, {pipeline_mode = #tpu.pipeline_mode<synchronous>, transform_indices = @transform_4, window_bounds = array<i64: 128, 128>}, {pipeline_mode = #tpu.pipeline_mode<synchronous>, transform_indices = @transform_5, window_bounds = array<i64: 1, 128>}, {pipeline_mode = #tpu.pipeline_mode<synchronous>, transform_indices = @transform_6, window_bounds = array<i64: 128, 128>}, {pipeline_mode = #tpu.pipeline_mode<synchronous>, transform_indices = @transform_7, window_bounds = array<i64: 1, 128>}, {transform_indices = @transform_8, window_bounds = array<i64: 5000, 128>}]} {
    %get3A = arith.constant 0 : index
    %get3A_0 = arith.constant 0 : index
    %get3A_1 = vector.load %arg1[%get3A, %get3A_0] : memref<5000x128xf32, #tpu.memory_space<vmem>>, vector<5000x128xf32>
    %get3A_2 = arith.constant 0 : index
    %get3A_3 = arith.constant 0 : index
    %get3A_4 = vector.load %arg4[%get3A_2, %get3A_3] : memref<1x128xf32, #tpu.memory_space<vmem>>, vector<1x128xf32>
    %mul3A = vector.broadcast %get3A_4 : vector<1x128xf32> to vector<5000x128xf32>
    %mul3A_5 = arith.mulf %get3A_1, %mul3A : vector<5000x128xf32>
    %get3A_6 = arith.constant 0 : index
    %get3A_7 = arith.constant 0 : index
    %get3A_8 = arith.constant 0 : index
    %get3A_9 = vector.load %arg2[%get3A_6, %get3A_7, %get3A_8] : memref<1x5000x128xf32, #tpu.memory_space<vmem>>, vector<1x5000x128xf32>
    %get3A_10 = vector.shape_cast %get3A_9 : vector<1x5000x128xf32> to vector<5000x128xf32>
    %add3A = arith.addf %mul3A_5, %get3A_10 : vector<5000x128xf32>
    %get3A_11 = arith.constant 0 : index
    %get3A_12 = arith.constant 0 : index
    %get3A_13 = arith.constant 0 : index
    %get3A_14 = vector.load %arg3[%get3A_11, %get3A_12, %get3A_13] : memref<1x5000x128xf32, #tpu.memory_space<vmem>>, vector<1x5000x128xf32>
    %get3A_15 = vector.shape_cast %get3A_14 : vector<1x5000x128xf32> to vector<5000x128xf32>
    %add3A_16 = arith.addf %add3A, %get3A_15 : vector<5000x128xf32>
    %get3A_17 = arith.constant 0 : index
    %get3A_18 = arith.constant 0 : index
    %get3A_19 = vector.load %arg5[%get3A_17, %get3A_18] : memref<128x128xf32, #tpu.memory_space<vmem>>, vector<128x128xf32>
    %dot_general3A = arith.constant dense<0.000000e+00> : vector<5000x128xf32>
    %dot_general3A_20 = tpu.matmul %add3A_16, %get3A_19, %dot_general3A {dimension_numbers = #tpu.dot_dimension_numbers<[1], [0], [0], [1], [0, 0, 1, 1], [], []>, transpose_lhs_hint = false} : vector<5000x128xf32>, vector<128x128xf32>, vector<5000x128xf32> -> vector<5000x128xf32>
    %get3A_21 = arith.constant 0 : index
    %get3A_22 = arith.constant 0 : index
    %get3A_23 = vector.load %arg6[%get3A_21, %get3A_22] : memref<1x128xf32, #tpu.memory_space<vmem>>, vector<1x128xf32>
    %add3A_24 = vector.broadcast %get3A_23 : vector<1x128xf32> to vector<5000x128xf32>
    %add3A_25 = arith.addf %dot_general3A_20, %add3A_24 : vector<5000x128xf32>
    %max3A = arith.constant 0.000000e+00 : f32
    %max3A_26 = vector.broadcast %max3A : f32 to vector<5000x128xf32>
    %max3A_27 = arith.maximumf %add3A_25, %max3A_26 : vector<5000x128xf32>
    %get3A_28 = arith.constant 0 : index
    %get3A_29 = arith.constant 0 : index
    %get3A_30 = vector.load %arg7[%get3A_28, %get3A_29] : memref<128x128xf32, #tpu.memory_space<vmem>>, vector<128x128xf32>
    %dot_general3A_31 = arith.constant dense<0.000000e+00> : vector<5000x128xf32>
    %dot_general3A_32 = tpu.matmul %max3A_27, %get3A_30, %dot_general3A_31 {dimension_numbers = #tpu.dot_dimension_numbers<[1], [0], [0], [1], [0, 0, 1, 1], [], []>, transpose_lhs_hint = false} : vector<5000x128xf32>, vector<128x128xf32>, vector<5000x128xf32> -> vector<5000x128xf32>
    %get3A_33 = arith.constant 0 : index
    %get3A_34 = arith.constant 0 : index
    %get3A_35 = vector.load %arg8[%get3A_33, %get3A_34] : memref<1x128xf32, #tpu.memory_space<vmem>>, vector<1x128xf32>
    %add3A_36 = vector.broadcast %get3A_35 : vector<1x128xf32> to vector<5000x128xf32>
    %add3A_37 = arith.addf %dot_general3A_32, %add3A_36 : vector<5000x128xf32>
    %swap3A = arith.constant 0 : index
    %swap3A_38 = arith.constant 0 : index
    %swap3A_39 = vector.load %arg9[%swap3A, %swap3A_38] : memref<5000x128xf32, #tpu.memory_space<vmem>>, vector<5000x128xf32>
    tpu.vector_store %arg9[%swap3A, %swap3A_38], %add3A_37 {strides = array<i32>} : memref<5000x128xf32, #tpu.memory_space<vmem>>, vector<5000x128xf32>,
    return
  }
  func.func @transform_0(%arg0: i32) -> (i32, i32) {
    %c0_i32 = arith.constant 0 : i32
    %c0_i32_0 = arith.constant 0 : i32
    return %arg0, %c0_i32 : i32, i32
  }
  func.func @transform_1(%arg0: i32) -> (i32, i32, i32) {
    %c0_i32 = arith.constant 0 : i32
    %c0_i32_0 = arith.constant 0 : i32
    %c0_i32_1 = arith.constant 0 : i32
    return %c0_i32, %arg0, %c0_i32_0 : i32, i32, i32
  }
  func.func @transform_2(%arg0: i32) -> (i32, i32, i32) {
    %c1_i32 = arith.constant 1 : i32
    %c0_i32 = arith.constant 0 : i32
    %c0_i32_0 = arith.constant 0 : i32
    return %c1_i32, %arg0, %c0_i32 : i32, i32, i32
  }
  func.func @transform_3(%arg0: i32) -> (i32, i32) {
    %c0_i32 = arith.constant 0 : i32
    %c0_i32_0 = arith.constant 0 : i32
    %c0_i32_1 = arith.constant 0 : i32
    return %c0_i32, %c0_i32_0 : i32, i32
  }
  func.func @transform_4(%arg0: i32) -> (i32, i32) {
    %c0_i32 = arith.constant 0 : i32
    %c0_i32_0 = arith.constant 0 : i32
    %c0_i32_1 = arith.constant 0 : i32
    return %c0_i32, %c0_i32_0 : i32, i32
  }
  func.func @transform_5(%arg0: i32) -> (i32, i32) {
    %c0_i32 = arith.constant 0 : i32
    %c0_i32_0 = arith.constant 0 : i32
    %c0_i32_1 = arith.constant 0 : i32
    return %c0_i32, %c0_i32_0 : i32, i32
  }
  func.func @transform_6(%arg0: i32) -> (i32, i32) {
    %c0_i32 = arith.constant 0 : i32
    %c0_i32_0 = arith.constant 0 : i32
    %c0_i32_1 = arith.constant 0 : i32
    return %c0_i32, %c0_i32_0 : i32, i32
  }
  func.func @transform_7(%arg0: i32) -> (i32, i32) {
    %c0_i32 = arith.constant 0 : i32
    %c0_i32_0 = arith.constant 0 : i32
    %c0_i32_1 = arith.constant 0 : i32
    return %c0_i32, %c0_i32_0 : i32, i32
  }
  func.func @transform_8(%arg0: i32) -> (i32, i32) {
    %c0_i32 = arith.constant 0 : i32
    %c0_i32_0 = arith.constant 0 : i32
    return %arg0, %c0_i32 : i32, i32
  }
}

module attributes {stable_mosaic.version = 14 : i64} {
  func.func @_final_body(%arg0: i32, %arg1: memref<5000x128xf32, #tpu.memory_space<vmem>>, %arg2: memref<5000x128xf32, #tpu.memory_space<vmem>>, %arg3: memref<1x5000x128xf32, #tpu.memory_space<vmem>>, %arg4: memref<1x5000x128xf32, #tpu.memory_space<vmem>>, %arg5: memref<1x128xf32, #tpu.memory_space<vmem>>, %arg6: memref<128x128xf32, #tpu.memory_space<vmem>>, %arg7: memref<1x128xf32, #tpu.memory_space<vmem>>, %arg8: memref<128x128xf32, #tpu.memory_space<vmem>>, %arg9: memref<1x128xf32, #tpu.memory_space<vmem>>, %arg10: memref<384x128xf32, #tpu.memory_space<vmem>>, %arg11: memref<1x128xf32, #tpu.memory_space<vmem>>, %arg12: memref<5000x128xf32, #tpu.memory_space<vmem>>) attributes {dimension_semantics = [#tpu.dimension_semantics<arbitrary>], iteration_bounds = array<i64: 2>, scalar_prefetch = 0 : i64, scratch_operands = 0 : i64, tpu.core_type = #tpu.core_type<tc>, window_params = [{transform_indices = @transform_0, window_bounds = array<i64: 5000, 128>}, {transform_indices = @transform_1, window_bounds = array<i64: 5000, 128>}, {transform_indices = @transform_2, window_bounds = array<i64: 1, 5000, 128>}, {transform_indices = @transform_3, window_bounds = array<i64: 1, 5000, 128>}, {pipeline_mode = #tpu.pipeline_mode<synchronous>, transform_indices = @transform_4, window_bounds = array<i64: 1, 128>}, {pipeline_mode = #tpu.pipeline_mode<synchronous>, transform_indices = @transform_5, window_bounds = array<i64: 128, 128>}, {pipeline_mode = #tpu.pipeline_mode<synchronous>, transform_indices = @transform_6, window_bounds = array<i64: 1, 128>}, {pipeline_mode = #tpu.pipeline_mode<synchronous>, transform_indices = @transform_7, window_bounds = array<i64: 128, 128>}, {pipeline_mode = #tpu.pipeline_mode<synchronous>, transform_indices = @transform_8, window_bounds = array<i64: 1, 128>}, {pipeline_mode = #tpu.pipeline_mode<synchronous>, transform_indices = @transform_9, window_bounds = array<i64: 384, 128>}, {pipeline_mode = #tpu.pipeline_mode<synchronous>, transform_indices = @transform_10, window_bounds = array<i64: 1, 128>}, {transform_indices = @transform_11, window_bounds = array<i64: 5000, 128>}]} {
    %get3A = arith.constant 0 : index
    %get3A_0 = arith.constant 0 : index
    %get3A_1 = vector.load %arg2[%get3A, %get3A_0] : memref<5000x128xf32, #tpu.memory_space<vmem>>, vector<5000x128xf32>
    %get3A_2 = arith.constant 0 : index
    %get3A_3 = arith.constant 0 : index
    %get3A_4 = vector.load %arg5[%get3A_2, %get3A_3] : memref<1x128xf32, #tpu.memory_space<vmem>>, vector<1x128xf32>
    %mul3A = vector.broadcast %get3A_4 : vector<1x128xf32> to vector<5000x128xf32>
    %mul3A_5 = arith.mulf %get3A_1, %mul3A : vector<5000x128xf32>
    %get3A_6 = arith.constant 0 : index
    %get3A_7 = arith.constant 0 : index
    %get3A_8 = arith.constant 0 : index
    %get3A_9 = vector.load %arg3[%get3A_6, %get3A_7, %get3A_8] : memref<1x5000x128xf32, #tpu.memory_space<vmem>>, vector<1x5000x128xf32>
    %get3A_10 = vector.shape_cast %get3A_9 : vector<1x5000x128xf32> to vector<5000x128xf32>
    %add3A = arith.addf %mul3A_5, %get3A_10 : vector<5000x128xf32>
    %get3A_11 = arith.constant 0 : index
    %get3A_12 = arith.constant 0 : index
    %get3A_13 = arith.constant 0 : index
    %get3A_14 = vector.load %arg4[%get3A_11, %get3A_12, %get3A_13] : memref<1x5000x128xf32, #tpu.memory_space<vmem>>, vector<1x5000x128xf32>
    %get3A_15 = vector.shape_cast %get3A_14 : vector<1x5000x128xf32> to vector<5000x128xf32>
    %add3A_16 = arith.addf %add3A, %get3A_15 : vector<5000x128xf32>
    %get3A_17 = arith.constant 0 : index
    %get3A_18 = arith.constant 0 : index
    %get3A_19 = vector.load %arg6[%get3A_17, %get3A_18] : memref<128x128xf32, #tpu.memory_space<vmem>>, vector<128x128xf32>
    %dot_general3A = arith.constant dense<0.000000e+00> : vector<5000x128xf32>
    %dot_general3A_20 = tpu.matmul %add3A_16, %get3A_19, %dot_general3A {dimension_numbers = #tpu.dot_dimension_numbers<[1], [0], [0], [1], [0, 0, 1, 1], [], []>, transpose_lhs_hint = false} : vector<5000x128xf32>, vector<128x128xf32>, vector<5000x128xf32> -> vector<5000x128xf32>
    %get3A_21 = arith.constant 0 : index
    %get3A_22 = arith.constant 0 : index
    %get3A_23 = vector.load %arg7[%get3A_21, %get3A_22] : memref<1x128xf32, #tpu.memory_space<vmem>>, vector<1x128xf32>
    %add3A_24 = vector.broadcast %get3A_23 : vector<1x128xf32> to vector<5000x128xf32>
    %add3A_25 = arith.addf %dot_general3A_20, %add3A_24 : vector<5000x128xf32>
    %max3A = arith.constant 0.000000e+00 : f32
    %max3A_26 = vector.broadcast %max3A : f32 to vector<5000x128xf32>
    %max3A_27 = arith.maximumf %add3A_25, %max3A_26 : vector<5000x128xf32>
    %get3A_28 = arith.constant 0 : index
    %get3A_29 = arith.constant 0 : index
    %get3A_30 = vector.load %arg8[%get3A_28, %get3A_29] : memref<128x128xf32, #tpu.memory_space<vmem>>, vector<128x128xf32>
    %dot_general3A_31 = arith.constant dense<0.000000e+00> : vector<5000x128xf32>
    %dot_general3A_32 = tpu.matmul %max3A_27, %get3A_30, %dot_general3A_31 {dimension_numbers = #tpu.dot_dimension_numbers<[1], [0], [0], [1], [0, 0, 1, 1], [], []>, transpose_lhs_hint = false} : vector<5000x128xf32>, vector<128x128xf32>, vector<5000x128xf32> -> vector<5000x128xf32>
    %get3A_33 = arith.constant 0 : index
    %get3A_34 = arith.constant 0 : index
    %get3A_35 = vector.load %arg9[%get3A_33, %get3A_34] : memref<1x128xf32, #tpu.memory_space<vmem>>, vector<1x128xf32>
    %add3A_36 = vector.broadcast %get3A_35 : vector<1x128xf32> to vector<5000x128xf32>
    %add3A_37 = arith.addf %dot_general3A_32, %add3A_36 : vector<5000x128xf32>
    %get3A_38 = arith.constant 0 : index
    %get3A_39 = arith.constant 0 : index
    %get3A_40 = vector.load %arg1[%get3A_38, %get3A_39] : memref<5000x128xf32, #tpu.memory_space<vmem>>, vector<5000x128xf32>
    %get3A_41 = arith.constant 0 : index
    %get3A_42 = arith.constant 0 : index
    %get3A_43 = vector.load %arg10[%get3A_41, %get3A_42] : memref<384x128xf32, #tpu.memory_space<vmem>>, vector<128x128xf32>
    %dot_general3A_44 = arith.constant dense<0.000000e+00> : vector<5000x128xf32>
    %dot_general3A_45 = tpu.matmul %get3A_40, %get3A_43, %dot_general3A_44 {dimension_numbers = #tpu.dot_dimension_numbers<[1], [0], [0], [1], [0, 0, 1, 1], [], []>, transpose_lhs_hint = false} : vector<5000x128xf32>, vector<128x128xf32>, vector<5000x128xf32> -> vector<5000x128xf32>
    %get3A_46 = arith.constant 0 : index
    %get3A_47 = arith.constant 0 : index
    %get3A_48 = vector.load %arg2[%get3A_46, %get3A_47] : memref<5000x128xf32, #tpu.memory_space<vmem>>, vector<5000x128xf32>
    %get3A_49 = arith.constant 128 : index
    %get3A_50 = arith.constant 0 : index
    %get3A_51 = vector.load %arg10[%get3A_49, %get3A_50] : memref<384x128xf32, #tpu.memory_space<vmem>>, vector<128x128xf32>
    %dot_general3A_52 = arith.constant dense<0.000000e+00> : vector<5000x128xf32>
    %dot_general3A_53 = tpu.matmul %get3A_48, %get3A_51, %dot_general3A_52 {dimension_numbers = #tpu.dot_dimension_numbers<[1], [0], [0], [1], [0, 0, 1, 1], [], []>, transpose_lhs_hint = false} : vector<5000x128xf32>, vector<128x128xf32>, vector<5000x128xf32> -> vector<5000x128xf32>
    %add3A_54 = arith.addf %dot_general3A_45, %dot_general3A_53 : vector<5000x128xf32>
    %get3A_55 = arith.constant 256 : index
    %get3A_56 = arith.constant 0 : index
    %get3A_57 = vector.load %arg10[%get3A_55, %get3A_56] : memref<384x128xf32, #tpu.memory_space<vmem>>, vector<128x128xf32>
    %dot_general3A_58 = arith.constant dense<0.000000e+00> : vector<5000x128xf32>
    %dot_general3A_59 = tpu.matmul %add3A_37, %get3A_57, %dot_general3A_58 {dimension_numbers = #tpu.dot_dimension_numbers<[1], [0], [0], [1], [0, 0, 1, 1], [], []>, transpose_lhs_hint = false} : vector<5000x128xf32>, vector<128x128xf32>, vector<5000x128xf32> -> vector<5000x128xf32>
    %add3A_60 = arith.addf %add3A_54, %dot_general3A_59 : vector<5000x128xf32>
    %get3A_61 = arith.constant 0 : index
    %get3A_62 = arith.constant 0 : index
    %get3A_63 = vector.load %arg11[%get3A_61, %get3A_62] : memref<1x128xf32, #tpu.memory_space<vmem>>, vector<1x128xf32>
    %add3A_64 = vector.broadcast %get3A_63 : vector<1x128xf32> to vector<5000x128xf32>
    %add3A_65 = arith.addf %add3A_60, %add3A_64 : vector<5000x128xf32>
    %reduce_max3A = arith.constant dense<0xFF800000> : vector<5000xf32>
    %reduce_max3A_66 = vector.multi_reduction <maximumf>, %add3A_65, %reduce_max3A [1] : vector<5000x128xf32> to vector<5000xf32>
    %broadcast_in_dim3A = vector.shape_cast %reduce_max3A_66 : vector<5000xf32> to vector<5000x1xf32>
    %sub3A = vector.broadcast %broadcast_in_dim3A : vector<5000x1xf32> to vector<5000x128xf32>
    %sub3A_67 = arith.subf %add3A_65, %sub3A : vector<5000x128xf32>
    %exp3A = math.exp %sub3A_67 : vector<5000x128xf32>
    %reduce_sum3A = arith.constant dense<0.000000e+00> : vector<5000xf32>
    %reduce_sum3A_68 = vector.multi_reduction <add>, %exp3A, %reduce_sum3A [1] : vector<5000x128xf32> to vector<5000xf32>
    %broadcast_in_dim3A_69 = vector.shape_cast %reduce_sum3A_68 : vector<5000xf32> to vector<5000x1xf32>
    %log3A = math.log %broadcast_in_dim3A_69 : vector<5000x1xf32>
    %add3A_70 = arith.addf %log3A, %broadcast_in_dim3A : vector<5000x1xf32>
    %sub3A_71 = vector.broadcast %add3A_70 : vector<5000x1xf32> to vector<5000x128xf32>
    %sub3A_72 = arith.subf %add3A_65, %sub3A_71 : vector<5000x128xf32>
    %swap3A = arith.constant 0 : index
    %swap3A_73 = arith.constant 0 : index
    %swap3A_74 = vector.load %arg12[%swap3A, %swap3A_73] : memref<5000x128xf32, #tpu.memory_space<vmem>>, vector<5000x128xf32>
    tpu.vector_store %arg12[%swap3A, %swap3A_73], %sub3A_72 {strides = array<i32>} : memref<5000x128xf32, #tpu.memory_space<vmem>>, vector<5000x128xf32>,
    return
  }
  func.func @transform_0(%arg0: i32) -> (i32, i32) {
    %c0_i32 = arith.constant 0 : i32
    %c0_i32_0 = arith.constant 0 : i32
    return %arg0, %c0_i32 : i32, i32
  }
  func.func @transform_1(%arg0: i32) -> (i32, i32) {
    %c0_i32 = arith.constant 0 : i32
    %c0_i32_0 = arith.constant 0 : i32
    return %arg0, %c0_i32 : i32, i32
  }
  func.func @transform_2(%arg0: i32) -> (i32, i32, i32) {
    %c0_i32 = arith.constant 0 : i32
    %c0_i32_0 = arith.constant 0 : i32
    %c0_i32_1 = arith.constant 0 : i32
    return %c0_i32, %arg0, %c0_i32_0 : i32, i32, i32
  }
  func.func @transform_3(%arg0: i32) -> (i32, i32, i32) {
    %c1_i32 = arith.constant 1 : i32
    %c0_i32 = arith.constant 0 : i32
    %c0_i32_0 = arith.constant 0 : i32
    return %c1_i32, %arg0, %c0_i32 : i32, i32, i32
  }
  func.func @transform_4(%arg0: i32) -> (i32, i32) {
    %c0_i32 = arith.constant 0 : i32
    %c0_i32_0 = arith.constant 0 : i32
    %c0_i32_1 = arith.constant 0 : i32
    return %c0_i32, %c0_i32_0 : i32, i32
  }
  func.func @transform_5(%arg0: i32) -> (i32, i32) {
    %c0_i32 = arith.constant 0 : i32
    %c0_i32_0 = arith.constant 0 : i32
    %c0_i32_1 = arith.constant 0 : i32
    return %c0_i32, %c0_i32_0 : i32, i32
  }
  func.func @transform_6(%arg0: i32) -> (i32, i32) {
    %c0_i32 = arith.constant 0 : i32
    %c0_i32_0 = arith.constant 0 : i32
    %c0_i32_1 = arith.constant 0 : i32
    return %c0_i32, %c0_i32_0 : i32, i32
  }
  func.func @transform_7(%arg0: i32) -> (i32, i32) {
    %c0_i32 = arith.constant 0 : i32
    %c0_i32_0 = arith.constant 0 : i32
    %c0_i32_1 = arith.constant 0 : i32
    return %c0_i32, %c0_i32_0 : i32, i32
  }
  func.func @transform_8(%arg0: i32) -> (i32, i32) {
    %c0_i32 = arith.constant 0 : i32
    %c0_i32_0 = arith.constant 0 : i32
    %c0_i32_1 = arith.constant 0 : i32
    return %c0_i32, %c0_i32_0 : i32, i32
  }
  func.func @transform_9(%arg0: i32) -> (i32, i32) {
    %c0_i32 = arith.constant 0 : i32
    %c0_i32_0 = arith.constant 0 : i32
    %c0_i32_1 = arith.constant 0 : i32
    return %c0_i32, %c0_i32_0 : i32, i32
  }
  func.func @transform_10(%arg0: i32) -> (i32, i32) {
    %c0_i32 = arith.constant 0 : i32
    %c0_i32_0 = arith.constant 0 : i32
    %c0_i32_1 = arith.constant 0 : i32
    return %c0_i32, %c0_i32_0 : i32, i32
  }
  func.func @transform_11(%arg0: i32) -> (i32, i32) {
    %c0_i32 = arith.constant 0 : i32
    %c0_i32_0 = arith.constant 0 : i32
    return %arg0, %c0_i32 : i32, i32
  }
}

</mosaic_0001>

<sc_bundles>
// kernel: kernel.10.cloned.1.call-start
scs
__scs_entry_jumppad:
0x0: {  	(pc) =	sbr.rel $0x88, $3  }
0x1: {  	(tag) =	ssettag $0x0;
	lr =	simm.s32 $0x1  }
0x2: {  	[smem:$0x3F91] =	sst lr;
	_ =	strace $0xD0000000  }
0x3: {  	_ = 	snop  }
0x4: {  	_ = 	snop  }
0x5: {  	_ = 	snop  }
0x6: {  	_ = 	snop  }
0x7: {  	_ = 	snop  }
__scs_overlays_trampoline_lowered:
0x8: {  	[smem:$0x3FA0] =	sst s0  }
0x9: {  	[smem:$0x3FA1] =	sst s1  }
0xa: {  	[smem:$0x3FA2] =	sst s2  }
0xb: {  	[smem:$0x3FA3] =	sst s3  }
0xc: {  	[smem:$0x3FA4] =	sst s4  }
0xd: {  	[smem:$0x3FA5] =	sst s5  }
0xe: {  	[smem:$0x3FA6] =	sst s6  }
0xf: {  	[smem:$0x3FA7] =	sst s7  }
0x10: {  	[smem:$0x3FA8] =	sst s8  }
0x11: {  	[smem:$0x3FA9] =	sst s9;
	s0 =	simm.s32 @!p0 $0x0  }
0x12: {  	s1 =	sld [smem:$0x3F8F];
	s0 =	simm.s32 @p0 $0x1  }
0x13: {  	[smem:$0x3FAA] =	sst s0;
	s0 =	simm.s32 @!p1 $0x0  }
0x14: {  	s2 =	sld [smem:$0x3F8E];
	s0 =	simm.s32 @p1 $0x1  }
0x15: {  	[smem:$0x3FAB] =	sst s0;
	s0 =	simm.s32 @!p2 $0x0  }
0x16: {  	s3 =	sld [smem:$0x3FDB];
	s0 =	simm.s32 @p2 $0x1  }
0x17: {  	s4 =	simm.s32 $0x1BF5;
	[smem:$0x3FAD] =	sst s0  }
0x18: {  	s0 =	sld [smem:$0x3F90];
	_ =	swait.ge [sflag:s4], $0x0  }
0x19: {  	s7 =	sld [smem:$0x3F91]  }
0x1a: {  	s8 =	sadd.s32 $0xFFFFE003, lr  }
0x1b: {  	s9 =	sadd.s32 $0xFFFFFEF7, lr;
	s5 =	simm.s32 $0xFFFFFFFF;
	p2 =	slt.u32 s8, $0xFFFFF086  }
0x1c: {  	p1 =	slt.u32 s9, $0xF7A;
	s5 =	simm.s32 @!p2 $0x0  }
0x1d: {  	s5 =	simm.s32 @p1 $0x1;
	p0 =	seq.s32 s7, s2  }
0x1e: {  	s7 =	smul.u32 @!p0 $0xF7A, s2;
	p2 =	seq.s32 @!p0 s5, $0x0  }
0x1f: {  	s9 =	smul.u32 $0xF7A, s1;
	s8 =	simm.s32 @!p0 $0x1BF5;
	p2 =	por !p2, p0  }
0x20: {  	[sflag:s8] =	ssyncset.s32 @!p0 $0xFFFFF086;
	s6 =	sadd.s32 @!p0 s3, s7;
	s7 =	simm.s32 @!p0 $0x108  }
0x21: {  	s3 =	sadd.s32 s3, s9;
	s6 =	sadd.s32 @!p0 $0x88, s6;
	s7 =	simm.s32 @p2 $0x1082  }
0x22: {  	[simem:s7], [sflag:s8] =	dma.local @!p0 [hbm:s6], $0xF7A  }
0x23: {  	s9 =	sor.u32 $0xD0000000, s2;
	s6 =	simm.s32 $0x108;
	_ =	swait.ge @!p0 [sflag:s8], $0x0  }
0x24: {  	s3 =	sadd.s32 $0x88, s3;
	s6 =	simm.s32 @!p1 $0x1082;
	[sflag:s4] =	ssyncset.s32 $0xFFFFF086  }
0x25: {  	[simem:s6], [sflag:s4] =	dma.local [hbm:s3], $0xF7A  }
0x26: {  	[smem:$0x3F91] =	sst s1;
	(tag) =	ssettag s2;
	_ =	strace s9  }
0x27: {  	s1 =	sld [smem:$0x3FA1]  }
0x28: {  	s2 =	sld [smem:$0x3FA2]  }
0x29: {  	s4 =	sld [smem:$0x3FA4]  }
0x2a: {  	p0 =	seq.s32 s5, $0x0;
	s5 =	sld [smem:$0x3FA5]  }
0x2b: {  	s6 =	sld [smem:$0x3FA6]  }
0x2c: {  	s7 =	sld [smem:$0x3FA7]  }
0x2d: {  	s3 =	simm.s32 $0x108;
	s8 =	sld [smem:$0x3FA8]  }
0x2e: {  	s3 =	simm.s32 @!p0 $0x1082;
	s9 =	sld [smem:$0x3FA9]  }
0x2f: {  	lr =	sadd.s32 s0, s3;
	s0 =	sld [smem:$0x3FA0]  }
0x30: {  	s3 =	sld [smem:$0x3FA3]  }
0x31: {  	[smem:$0x3FAC] =	sst s10  }
0x32: {  	s10 =	sld [smem:$0x3FAA];
	_ =	sdelay $0x3  }
0x33: {  	p0 =	seq.s32 s10, $0x1;
	s10 =	sld [smem:$0x3FAC];
	_ =	sdelay $0x3  }
0x34: {  	[smem:$0x3FAC] =	sst s10  }
0x35: {  	s10 =	sld [smem:$0x3FAB];
	_ =	sdelay $0x3  }
0x36: {  	p1 =	seq.s32 s10, $0x1;
	s10 =	sld [smem:$0x3FAC];
	_ =	sdelay $0x3  }
0x37: {  	[smem:$0x3FAC] =	sst s10  }
0x38: {  	s10 =	sld [smem:$0x3FAD]  }
0x39: {  	_ = 	snop;
	(pc) =	sbr.ind lr, $3  }
0x3a: {  	_ = 	snop  }
0x3b: {  	_ = 	snop  }
0x3c: {  	p2 =	seq.s32 s10, $0x1;
	s10 =	sld [smem:$0x3FAC]  }
0x3d: {  	_ =	shalt  }
0x3e: {  	_ =	shalt  }
0x3f: {  	_ =	shalt  }
0x40: {  	_ =	shalt  }
0x41: {  	_ =	shalt  }
0x42: {  	_ =	shalt  }
0x43: {  	_ =	shalt  }
0x44: {  	_ =	shalt  }
0x45: {  	_ =	shalt  }
0x46: {  	_ =	shalt  }
0x47: {  	_ =	shalt  }
0x48: {  	_ =	shalt  }
0x49: {  	_ =	shalt  }
0x4a: {  	_ =	shalt  }
0x4b: {  	_ =	shalt  }
0x4c: {  	_ =	shalt  }
0x4d: {  	_ =	shalt  }
0x4e: {  	_ =	shalt  }
0x4f: {  	_ =	shalt  }
0x50: {  	_ =	shalt  }
0x51: {  	_ =	shalt  }
0x52: {  	_ =	shalt  }
0x53: {  	_ =	shalt  }
0x54: {  	_ =	shalt  }
0x55: {  	_ =	shalt  }
0x56: {  	_ =	shalt  }
0x57: {  	_ =	shalt  }
0x58: {  	_ =	shalt  }
0x59: {  	_ =	shalt  }
0x5a: {  	_ =	shalt  }
0x5b: {  	_ =	shalt  }
0x5c: {  	_ =	shalt  }
0x5d: {  	_ =	shalt  }
0x5e: {  	_ =	shalt  }
0x5f: {  	_ =	shalt  }
0x60: {  	_ =	shalt  }
0x61: {  	_ =	shalt  }
0x62: {  	_ =	shalt  }
0x63: {  	_ =	shalt  }
0x64: {  	_ =	shalt  }
0x65: {  	_ =	shalt  }
0x66: {  	_ =	shalt  }
0x67: {  	_ =	shalt  }
0x68: {  	_ =	shalt  }
0x69: {  	_ =	shalt  }
0x6a: {  	_ =	shalt  }
0x6b: {  	_ =	shalt  }
0x6c: {  	_ =	shalt  }
0x6d: {  	_ =	shalt  }
0x6e: {  	_ =	shalt  }
0x6f: {  	_ =	shalt  }
0x70: {  	_ =	shalt  }
0x71: {  	_ =	shalt  }
0x72: {  	_ =	shalt  }
0x73: {  	_ =	shalt  }
0x74: {  	_ =	shalt  }
0x75: {  	_ =	shalt  }
0x76: {  	_ =	shalt  }
0x77: {  	_ =	shalt  }
0x78: {  	_ =	shalt  }
0x79: {  	_ =	shalt  }
0x7a: {  	_ =	shalt  }
0x7b: {  	_ =	shalt  }
0x7c: {  	_ =	shalt  }
0x7d: {  	_ =	shalt  }
0x7e: {  	_ =	shalt  }
0x7f: {  	_ =	shalt  }
0x80: {  	_ =	shalt  }
0x81: {  	_ =	shalt  }
0x82: {  	_ =	shalt  }
0x83: {  	_ =	shalt  }
0x84: {  	_ =	shalt  }
0x85: {  	_ =	shalt  }
0x86: {  	_ =	shalt  }
0x87: {  	_ =	shalt  }
.Lfunc_end0:
.L_simem_size_0:
called_computation.1_lowered:
.L_overlay_start_0:
0x88: {  	s2 =	sld [smem:$0x3FD9]  }
0x89: {  	s3 =	sld [smem:$0x3FFE];
	_ =	sdelay $0x1  }
0x8a: {  	s1 =	srdreg.scid  }
0x8b: {  	s0 =	sand.u32 $0x1, s1  }
0x8c: {  	s17 =	sshll.u32 s0, $0xA;
	s2 =	sadd.s32 s3, s2  }
0x8d: {  	s2 =	sadd.s32 s2, s17  }
0x8e: {  	[smem:$0x3FB8] =	sst s2  }
0x8f: {  	_ = 	snop  }
0x90: {  	s2 =	sld [smem:$0x3FD0];
	(tm) =	ssettm $0x1  }
0x91: {  	s18 =	sld [smem:$0x3FFB];
	_ =	sdelay $0x3  }
0x92: {  	_ =	strace s18  }
0x93: {  	s3 =	sld [smem:$0x3FFC];
	_ =	sdelay $0x3  }
0x94: {  	_ =	strace s3  }
0x95: {  	s3 =	sld [smem:$0x3FFD];
	_ =	sdelay $0x3  }
0x96: {  	_ =	strace s3  }
0x97: {  	_ =	strace $0x8FFFFFFF  }
0x98: {  	s19 =	sld [smem:$0x3FDB];
	_ =	sdelay $0x1  }
0x99: {  	s4 =	simm.s32 $_scs_section_size  }
0x9a: {  	s5 =	simm.s32 $_size__tile_overlayer_lowered;
	s6 =	simm.s32 $_tile_overlayer_lowered  }
0x9b: {  	s22 =	simm.s32 $0x1BFF;
	s21 =	sshll.u32 s6, $0x1;
	s3 =	sadd.s32 s4, s19  }
0x9c: {  	s7 =	simm.s32 $0x0;
	s20 =	sshll.u32 s5, $0x1;
	s5 =	sadd.s32 s21, s3  }
0x9d: {  	[timem:s7], [sflag:s22] =	dma.local [hbm:s5], s20  }
0x9e: {  	_ =	swait.ge [sflag:s22], s20  }
0x9f: {  	s4 =	ssub.s32 $0x0, s20;
	[sflag:s22] =	ssyncset.done $0x0  }
0xa0: {  	[sflag:s22] =	ssyncadd.s32 s4;
	_ =	sdelay $0x1  }
0xa1: {  	s23 =	simm.s32 $0x1B8B  }
0xa2: {  	_ =	swait.ge [sflag:s23], $0x1  }
0xa3: {  	[sflag:s23] =	ssyncset.done $0x0  }
0xa4: {  	s25 =	simm.s32 $0x1B8E;
	s24 =	sld [smem:$0x3FFE];
	[sflag:s23] =	ssyncadd.s32 $0xFFFFFFFF  }
0xa5: {  	s26 =	simm.s32 $execute0_lowered;
	[smem:$0x3FD2] =	sst s25  }
0xa6: {  	s5 =	sshll.u32 s26, $0x1;
	_ =	strace $0x80000049;
	[dreg:$0x1] =	wrdreg $0xFFFFFFFF  }
0xa7: {  	s28 =	simm.s32 $_size_execute0_lowered;
	s3 =	sadd.s32 s3, s5;
	[dreg:$0x0] =	wrdreg $0x0  }
0xa8: {  	s5 =	sshll.u32 s28, $0x1;
	[dreg:$0x2] =	wrdreg s3  }
0xa9: {  	[dreg:$0x3] =	wrdreg s5  }
0xaa: {  	[dreg:$0x4] =	wrdreg $0xC0  }
0xab: {  	_ =	task [dreg:s7], $0x5FFFF  }
0xac: {  	[dreg:$0x1] =	wrdreg $0xFFFFFFFF  }
0xad: {  	[dreg:$0x0] =	wrdreg $0x60  }
0xae: {  	[dreg:$0x2] =	wrdreg s2  }
0xaf: {  	[dreg:$0x3] =	wrdreg s24  }
0xb0: {  	[dreg:$0x4] =	wrdreg $0x8D000  }
0xb1: {  	[dreg:$0x5] =	wrdreg $0x9  }
0xb2: {  	_ =	task.clear_ibuf [dreg:s7], $0x6FFFF;
	_ =	strace $0x90000049  }
0xb3: {  	s29 =	simm.s32 $0x9;
	_ =	strace $0x8000004B  }
0xb4: {  	_ =	swait.ge [sflag:s29], $0x1  }
0xb5: {  	[sflag:s29] =	ssyncadd.s32 $0xFFFFFFFF  }
0xb6: {  	_ =	strace $0x9000004B  }
0xb7: {  	_ =	sfence  }
0xb8: {  	s30 =	sld [smem:$0x0];
	_ =	sdelay $0x2  }
0xb9: {  	s31 =	sshll.u32 s1, $0xD;
	s1 =	sshrl.u32 s1, $0x2  }
0xba: {  	s3 =	sand.u32 $0x4000, s31;
	s1 =	sadd.s32 s1, s30  }
0xbb: {  	s0 =	sor.u32 s3, s0;
	s1 =	sshll.u32 s1, $0x11  }
0xbc: {  	s0 =	sor.u32 s1, s0  }
0xbd: {  	s0 =	sadd.s32 $0x8F2B, s0  }
0xbe: {  	[sflag:s0] =	ssyncadd.remote.s32 $0x1  }
0xbf: {  	_ =	sfence.sel $0xFFFF  }
0xc0: {  	[dreg:$0x0] =	wrdreg $0xFFFFFFFF;
	(pc) =	sbr.abs _section_cstart, $3  }
0xc1: {  	[dreg:$0x1] =	wrdreg $0xFFFFFFFF  }
0xc2: {  	_ =	task.clear_ibuf [dreg:s7], $0x2FFFF;
	_ =	strace $0x9FFFFFFF  }
0xc3: {  	(tm) =	ssettm $0x7FFFFFFF  }
tec
execute0_lowered:
.L_overlay_start_1:
0x0: {  	(tag) =	ssettag $0x1  }
0x1: {  	s1 =	rddreg [dreg:$0x0]  }
0x2: {  	s0 =	rddreg [dreg:$0x1]  }
0x3: {  	s2 =	rddreg [dreg:$0x2]  }
0x4: {  	s3 =	srdreg.scid;
	s4 =	simm.s32 $0x0;
	s10 =	stileid.u32  }
0x5: {  	s28 =	simm.s32 $0x480;
	s29 =	simm.s32 $0x10;
	s30 =	simm.s32 $0x8500  }
0x6: {  	s31 =	simm.s32 $0x2;
	s3 =	sand.u32 $0x1, s3;
	s8 =	smul.u32 $0x14000, s10  }
0x7: {  	[smem:$0x7FF] =	sst s4;
	s5 =	sadd.s32 $0xCA00, s0;
	s20 =	smul.u32 $0x50000, s10  }
0x8: {  	s9 =	sshll.u32 s10, $0x1;
	s6 =	sadd.s32 $0x2C00, s0;
	s10 =	smul.u32 $0x4E20, s10  }
0x9: {  	s11 =	sadd.s32 $0x16800, s0;
	s7 =	smul.u32 $0x140000, s3;
	_ =	strace $0x8000004A  }
0xa: {  	s17 =	sor.u32 s3, s9;
	s18 =	ssub.s32 $0x2, s3;
	s3 =	smul.u32 $0x2710, s3  }
0xb: {  	[dreg:$0x4] =	wrdreg s11;
	s7 =	sadd.s32 s8, s7;
	s8 =	smul.u32 $0x2710, s17  }
0xc: {  	s19 =	sshrl.u32 s18, $0x1;
	s25 =	sshrl.u32 s20, $0x2;
	s20 =	simm.s32 $0x4  }
0xd: {  	s3 =	sadd.s32 s3, s10;
	s7 =	sshrl.u32 s7, $0x3;
	s8 =	sshrl.u32 s8, $0x3  }
0xe: {  	s26 =	sadd.s32 $0x180, s3;
	s10 =	sadd.s32 $0x100, s3;
	s21 =	sadd.s32 s5, s8  }
0xf: {  	s0 =	sadd.s32 s7, s0;
	s22 =	sadd.s32 s6, s8;
	[dreg:$0x5] =	wrdreg s21  }
0x10: {  	s7 =	ssub.s32 s18, s19;
	s0 =	sadd.s32 $0x19000, s0;
	[dreg:$0x6] =	wrdreg s22  }
0x11: {  	s23 =	sadd.s32 $0x10, s8;
	s7 =	smax.u32 s7, $0x1;
	[dreg:$0xc] =	wrdreg s0  }
0x12: {  	s3 =	simm.s32 $0x0;
	s12 =	sadd.s32 s5, s23;
	[dreg:$0xd] =	wrdreg s7  }
0x13: {  	s8 =	sadd.s32 $0x4E0, s8;
	s11 =	sadd.s32 s6, s23;
	[dreg:$0x7] =	wrdreg s12  }
.Ltmp0:
0x14: {  	s24 =	sadd.s32 s5, s8;
	[dreg:$0x8] =	wrdreg s11;
	(pc) =	sbr.rel .LBB2_1-.Ltmp0, $4  }
0x15: {  	s8 =	sadd.s32 s6, s8;
	s0 =	sshrl.u32 s26, $0x3;
	[dreg:$0x9] =	wrdreg s24  }
0x16: {  	s22 =	simm.s32 $0x80;
	s26 =	simm.s32 $0x400;
	[dreg:$0xa] =	wrdreg s8  }
0x17: {  	s8 =	sadd.s32 s25, s2;
	s7 =	sadd.s32 s0, s5;
	s25 =	simm.s32 $0x4500  }
0x18: {  	[dreg:$0xb] =	wrdreg s8;
	s8 =	sadd.s32 s0, s6;
	s0 =	simm.s32 $0x3  }
.LBB2_4:
0x19: {  	[bflag:$0x0] =	sbarrier.arrive $0xFFFF  }
0x1a: {  	s9 =	rddreg [dreg:$0xc]  }
0x1b: {  	[hbm:s9], [sflag:s21] =	dma.local [spmem:s23], $0x2800  }
0x1c: {  	_ =	swait.ge [sflag:s20], $0x2800  }
0x1d: {  	s3 =	sadd.s32 $0x1, s3;
	s24 =	rddreg [dreg:$0xd]  }
0x1e: {  	p0 =	sne.s32 s3, s24  }
.Ltmp1:
0x1f: {  	_ = 	snop;
	(pc) =	sbr.rel @!p0 .LBB2_5-.Ltmp1, $3  }
0x20: {  	_ =	sdelay $0x1  }
0x21: {  	[sflag:s20] =	ssyncset.done $0x0  }
0x22: {  	[sflag:s20] =	ssyncadd.s32 $0xFFFFD800  }
.LBB2_1:
0x23: {  	s9 =	rddreg [dreg:$0x5]  }
0x24: {  	[tilespmem:s4], [sflag:$0x4] =	stream.linear.gather [hbm4b:s9+s4], $0x80, $0x38;
	[tilespmem:$0x1CD00] =	vst v63  }
0x25: {  	_ =	swait.ge [sflag:s20], $0x80  }
0x26: {  	[sflag:s20] =	ssyncset.done $0x0  }
0x27: {  	s11 =	simm.s32 $0x200;
	s13 =	rddreg [dreg:$0x6];
	[sflag:s20] =	ssyncadd.s32 $0xFFFFFF80  }
0x28: {  	[tilespmem:s11], [sflag:$0x4] =	stream.linear.gather [hbm4b:s13+s4], $0x80, $0x38;
	[tilespmem:$0x1CD00] =	vst v63  }
0x29: {  	_ =	swait.ge [sflag:s20], $0x80  }
0x2a: {  	[sflag:s20] =	ssyncset.done $0x0  }
0x2b: {  	s14 =	simm.s32 $0x500;
	[sflag:s20] =	ssyncadd.s32 $0xFFFFFF80  }
0x2c: {  	[tilespmem:s14], [sflag:$0x1] =	stream.indirect.gather [hbm4b:s1+s22], $0x80, s4, s22, $0xb8;
	[tilespmem:$0x1CD00] =	vst v63  }
0x2d: {  	s15 =	rddreg [dreg:$0x7]  }
0x2e: {  	[tilespmem:s22], [sflag:$0x4] =	stream.linear.gather [hbm4b:s15+s4], $0x80, $0x38;
	[tilespmem:$0x1CD00] =	vst v63  }
0x2f: {  	_ =	swait.ge [sflag:s20], $0x80  }
0x30: {  	[sflag:s20] =	ssyncset.done $0x0  }
0x31: {  	s17 =	simm.s32 $0x280;
	s16 =	rddreg [dreg:$0x8];
	[sflag:s20] =	ssyncadd.s32 $0xFFFFFF80  }
0x32: {  	[tilespmem:s17], [sflag:$0x4] =	stream.linear.gather [hbm4b:s16+s4], $0x80, $0x38;
	[tilespmem:$0x1CD00] =	vst v63  }
0x33: {  	_ =	swait.ge [sflag:s20], $0x80  }
0x34: {  	[sflag:s20] =	ssyncset.done $0x0  }
0x35: {  	[sflag:s20] =	ssyncadd.s32 $0xFFFFFF80  }
0x36: {  	[tilespmem:s25], [sflag:$0x2] =	stream.indirect.gather [hbm4b:s1+s22], $0x80, s22, s22, $0xb8;
	[tilespmem:$0x1CD00] =	vst v63  }
0x37: {  	s18 =	rddreg [dreg:$0x9]  }
0x38: {  	[tilespmem:s26], [sflag:$0x4] =	stream.linear.gather [hbm4b:s18+s4], $0x10, $0x38;
	[tilespmem:$0x1CD00] =	vst v63  }
0x39: {  	_ =	swait.ge [sflag:s20], $0x10  }
0x3a: {  	[sflag:s20] =	ssyncset.done $0x0  }
0x3b: {  	s21 =	stileid.u32;
	s19 =	rddreg [dreg:$0xa];
	[sflag:s20] =	ssyncadd.s32 $0xFFFFFFF0  }
0x3c: {  	[tilespmem:s28], [sflag:$0x4] =	stream.linear.gather [hbm4b:s19+s4], $0x10, $0x38;
	[tilespmem:$0x1CD00] =	vst v63  }
0x3d: {  	s9 =	sshll.u32 s21, $0x6;
	_ =	swait.ge [sflag:s20], $0x10  }
0x3e: {  	s21 =	sor.u32 $0x1C04, s9;
	[sflag:s20] =	ssyncset.done $0x0;
	s23 =	rddreg [dreg:$0xb]  }
0x3f: {  	s24 =	rddreg [dreg:$0x4];
	[sflag:s20] =	ssyncadd.s32 $0xFFFFFFF0;
	s23 =	sshrl.u32 s23, $0x3  }
0x40: {  	[tilespmem:s30], [sflag:$0x3] =	stream.indirect.gather [hbm4b:s1+s29], $0x80, s26, s29, $0xb8;
	[tilespmem:$0x1CD00] =	vst v63  }
0x41: {  	[spmem:s23], [sflag:s21] =	dma.local [hbm:s24], $0x2800  }
0x42: {  	_ =	swait.ge [sflag:s20], $0x2800  }
0x43: {  	[sflag:s20] =	ssyncset.done $0x0  }
0x44: {  	[sflag:s20] =	ssyncadd.s32 $0xFFFFD800  }
0x45: {  	[bflag:$0x0] =	sbarrier.arrive $0xFFFF  }
0x46: {  	_ =	swait.ge [sflag:s0], $0x800  }
0x47: {  	[sflag:s0] =	ssyncset.done $0x0  }
0x48: {  	[sflag:s0] =	ssyncadd.s32 $0xFFFFF800  }
0x49: {  	[spmem:s2] =	stream.indirect.scatter.add.f32 [tilespmem:s30], [sflag:$0x4], $0x80, s28, s29, $0xb8;
	[tilespmem:$0x1CD00] =	vst v63  }
0x4a: {  	s9 =	simm.s32 $0x3;
	_ =	swait.ge [sflag:s20], $0x800  }
0x4b: {  	s17 =	smov.u32 s10;
	s18 =	smov.u32 s8;
	[sflag:s20] =	ssyncset.done $0x0  }
0x4c: {  	s19 =	smov.u32 s7;
	s24 =	simm.s32 $0x0;
	[sflag:s20] =	ssyncadd.s32 $0xFFFFF800  }
.LBB2_2:
0x4d: {  	p0 =	sne.s32 s9, $0x4F  }
0x4e: {  	s11 =	sadd.s32 @p0 $0xFFFFFFFF, s9  }
0x4f: {  	s12 =	sshrl.u32 @p0 s17, $0x3;
	s11 =	sand.u32 @p0 $0x2, s11  }
0x50: {  	s14 =	simm.s32 @p0 $0x0;
	s13 =	sadd.s32 @p0 s5, s12;
	s11 =	sshll.u32 @p0 s11, $0x7  }
0x51: {  	[tilespmem:s11], [sflag:$0x3] =	stream.linear.gather @p0 [hbm4b:s13+s14], $0x80, $0x38;
	[tilespmem:$0x1CD00] =	vst v63  }
0x52: {  	s12 =	sadd.s32 @p0 s6, s12;
	s13 =	sor.u32 @p0 $0x200, s11  }
0x53: {  	[tilespmem:s13], [sflag:$0x3] =	stream.linear.gather @p0 [hbm4b:s12+s14], $0x80, $0x38;
	[tilespmem:$0x1CD00] =	vst v63  }
0x54: {  	s12 =	simm.s32 @p0 $0x1  }
0x55: {  	_ =	swait.ge @p0 [sflag:s12], $0x4000  }
0x56: {  	s13 =	sand.u32 @p0 $0x400, s24;
	[sflag:s12] =	ssyncset.done @p0 $0x0  }
0x57: {  	[sflag:s12] =	ssyncadd.s32 @p0 $0xFFFFC000;
	s12 =	sshrl.u32 @p0 s13, $0x2  }
0x58: {  	s15 =	simm.s32 @p0 $0x80;
	s16 =	simm.s32 @p0 $0x500;
	s12 =	sor.u32 @p0 $0x200, s12  }
0x59: {  	[spmem:s2] =	stream.indirect.scatter.add.f32 @p0 [tilespmem:s16], [sflag:$0x4], $0x80, s12, s15, $0xb8;
	[tilespmem:$0x1CD00] =	vst v63  }
0x5a: {  	s12 =	simm.s32 @p0 $0x4  }
0x5b: {  	_ =	swait.ge @p0 [sflag:s12], $0x4000  }
0x5c: {  	[sflag:s12] =	ssyncset.done @p0 $0x0  }
0x5d: {  	[sflag:s12] =	ssyncadd.s32 @p0 $0xFFFFC000;
	s12 =	simm.s32 @p0 $0x3  }
0x5e: {  	_ =	swait.ge @p0 [sflag:s12], $0x80  }
0x5f: {  	[sflag:s12] =	ssyncset.done @p0 $0x0  }
0x60: {  	[sflag:s12] =	ssyncadd.s32 @p0 $0xFFFFFF80  }
0x61: {  	_ =	swait.ge @p0 [sflag:s12], $0x80  }
0x62: {  	[sflag:s12] =	ssyncset.done @p0 $0x0  }
0x63: {  	[sflag:s12] =	ssyncadd.s32 @p0 $0xFFFFFF80  }
0x64: {  	[tilespmem:s16], [sflag:$0x1] =	stream.indirect.gather @p0 [hbm4b:s1+s15], $0x80, s11, s15, $0xb8;
	[tilespmem:$0x1CD00] =	vst v63  }
0x65: {  	s11 =	sand.u32 @p0 $0x3, s9  }
0x66: {  	s12 =	sshll.u32 @p0 s11, $0x7  }
0x67: {  	[tilespmem:s12], [sflag:$0x3] =	stream.linear.gather @p0 [hbm4b:s19+s14], $0x80, $0x38;
	[tilespmem:$0x1CD00] =	vst v63  }
0x68: {  	s12 =	sor.u32 @p0 $0x200, s12  }
0x69: {  	[tilespmem:s12], [sflag:$0x3] =	stream.linear.gather @p0 [hbm4b:s18+s14], $0x80, $0x38;
	[tilespmem:$0x1CD00] =	vst v63  }
0x6a: {  	s12 =	simm.s32 @!p0 $0x1  }
0x6b: {  	_ =	swait.ge @!p0 [sflag:s12], $0x4000  }
0x6c: {  	s15 =	simm.s32 @!p0 $0x500;
	[sflag:s12] =	ssyncset.done @!p0 $0x0  }
0x6d: {  	s14 =	simm.s32 @!p0 $0x200;
	[sflag:s12] =	ssyncadd.s32 @!p0 $0xFFFFC000;
	s12 =	simm.s32 @!p0 $0x80  }
0x6e: {  	[spmem:s2] =	stream.indirect.scatter.add.f32 @!p0 [tilespmem:s15], [sflag:$0x4], $0x80, s14, s12, $0xb8;
	[tilespmem:$0x1CD00] =	vst v63  }
0x6f: {  	s12 =	simm.s32 @!p0 $0x4  }
0x70: {  	_ =	swait.ge @!p0 [sflag:s12], $0x4000  }
0x71: {  	[sflag:s12] =	ssyncset.done @!p0 $0x0  }
0x72: {  	[sflag:s12] =	ssyncadd.s32 @!p0 $0xFFFFC000  }
0x73: {  	s13 =	simm.s32 @!p0 $0x0;
	_ =	swait.ge [sflag:s31], $0x4000  }
0x74: {  	p1 =	seq.s32 s9, $0x4F;
	s16 =	sshrl.u32 s13, $0x2;
	[sflag:s31] =	ssyncset.done $0x0  }
.Ltmp2:
0x75: {  	s12 =	sadd.s32 $0x280, s16;
	[sflag:s31] =	ssyncadd.s32 $0xFFFFC000;
	(pc) =	sbr.rel @p1 .LBB2_4-.Ltmp2, $4  }
0x76: {  	[spmem:s2] =	stream.indirect.scatter.add.f32 [tilespmem:s25], [sflag:$0x4], $0x80, s12, s22, $0xb8;
	[tilespmem:$0x1CD00] =	vst v63  }
0x77: {  	_ =	swait.ge [sflag:s20], $0x4000  }
0x78: {  	[sflag:s20] =	ssyncset.done $0x0  }
0x79: {  	[sflag:s20] =	ssyncadd.s32 $0xFFFFC000  }
0x7a: {  	_ =	swait.ge [sflag:s0], $0x80  }
0x7b: {  	s11 =	sshll.u32 @p0 s11, $0x9;
	[sflag:s0] =	ssyncset.done $0x0  }
.Ltmp3:
0x7c: {  	s17 =	sadd.s32 $0x100, s17;
	[sflag:s0] =	ssyncadd.s32 $0xFFFFFF80;
	(pc) =	sbr.rel .LBB2_2-.Ltmp3, $4  }
0x7d: {  	s9 =	sadd.s32 $0x2, s9;
	s18 =	sadd.s32 $0x20, s18;
	_ =	swait.ge [sflag:s0], $0x80  }
0x7e: {  	s19 =	sadd.s32 $0x20, s19;
	s11 =	simm.s32 @!p0 $0x600;
	[sflag:s0] =	ssyncset.done $0x0  }
0x7f: {  	s24 =	sadd.s32 $0x400, s24;
	s11 =	sshrl.u32 s11, $0x2;
	[sflag:s0] =	ssyncadd.s32 $0xFFFFFF80  }
0x80: {  	[tilespmem:s25], [sflag:$0x2] =	stream.indirect.gather [hbm4b:s1+s22], $0x80, s11, s22, $0xb8;
	[tilespmem:$0x1CD00] =	vst v63  }
.LBB2_5:
0x81: {  	_ =	sfence.sel $0x180000  }
0x82: {  	[bflag:$0x0] =	sbarrier.arrive $0xFFFF  }
0x83: {  	_ =	strace $0x9000004A  }
0x84: {  	s0 =	stileid.u32;
	[bflag:$0x2] =	sbarrier.arrive $0xFFFF  }
0x85: {  	p0 =	sne.s32 s0, $0x0;
	s0 =	rddreg [dreg:$0x3]  }
0x86: {  	s0 =	sadd.s32 @!p0 $0x100000, s0  }
0x87: {  	[sflag:s0] =	ssyncadd.tile.s32 @!p0 $0x1;
	_ =	shalt  }
.Lfunc_end2:
_tile_overlayer_lowered:
.L_overlay_start_2:
0x88: {  	(tag) =	ssettag $0x2  }
0x89: {  	s0 =	rddreg [dreg:$0x0];
	s2 =	stileid.u32  }
0x8a: {  	s1 =	rddreg [dreg:$0x1];
	p0 =	sne.s32 s2, $0x0  }
0x8b: {  	s3 =	rddreg [dreg:$0x2];
	[bflag:$0x3] =	sbarrier.arrive $0xFFFF;
	s2 =	simm.s32 @!p0 $0x1C04  }
0x8c: {  	[timem:s3], [sflag:s2] =	dma.local @!p0 [hbm:s0], s1  }
0x8d: {  	s0 =	simm.s32 @!p0 $0x4  }
0x8e: {  	_ =	swait.ge @!p0 [sflag:s0], s1  }
0x8f: {  	s1 =	ssub.s32 @!p0 $0x0, s1;
	[sflag:s0] =	ssyncset.done @!p0 $0x0  }
0x90: {  	[sflag:s0] =	ssyncadd.s32 @!p0 s1  }
0x91: {  	[bflag:$0x3] =	sbarrier.arrive $0xFFFF  }
0x92: {  	_ =	shalt  }

// kernel: kernel.7.cloned.1.call-start
scs
__scs_entry_jumppad:
0x0: {  	(pc) =	sbr.rel $0x88, $3  }
0x1: {  	(tag) =	ssettag $0x0;
	lr =	simm.s32 $0x1  }
0x2: {  	[smem:$0x3F91] =	sst lr;
	_ =	strace $0xD0000000  }
0x3: {  	_ = 	snop  }
0x4: {  	_ = 	snop  }
0x5: {  	_ = 	snop  }
0x6: {  	_ = 	snop  }
0x7: {  	_ = 	snop  }
__scs_overlays_trampoline_lowered:
0x8: {  	[smem:$0x3FA0] =	sst s0  }
0x9: {  	[smem:$0x3FA1] =	sst s1  }
0xa: {  	[smem:$0x3FA2] =	sst s2  }
0xb: {  	[smem:$0x3FA3] =	sst s3  }
0xc: {  	[smem:$0x3FA4] =	sst s4  }
0xd: {  	[smem:$0x3FA5] =	sst s5  }
0xe: {  	[smem:$0x3FA6] =	sst s6  }
0xf: {  	[smem:$0x3FA7] =	sst s7  }
0x10: {  	[smem:$0x3FA8] =	sst s8  }
0x11: {  	[smem:$0x3FA9] =	sst s9;
	s0 =	simm.s32 @!p0 $0x0  }
0x12: {  	s1 =	sld [smem:$0x3F8F];
	s0 =	simm.s32 @p0 $0x1  }
0x13: {  	[smem:$0x3FAA] =	sst s0;
	s0 =	simm.s32 @!p1 $0x0  }
0x14: {  	s2 =	sld [smem:$0x3F8E];
	s0 =	simm.s32 @p1 $0x1  }
0x15: {  	[smem:$0x3FAB] =	sst s0;
	s0 =	simm.s32 @!p2 $0x0  }
0x16: {  	s3 =	sld [smem:$0x3FDB];
	s0 =	simm.s32 @p2 $0x1  }
0x17: {  	s4 =	simm.s32 $0x1BF5;
	[smem:$0x3FAD] =	sst s0  }
0x18: {  	s0 =	sld [smem:$0x3F90];
	_ =	swait.ge [sflag:s4], $0x0  }
0x19: {  	s7 =	sld [smem:$0x3F91]  }
0x1a: {  	s8 =	sadd.s32 $0xFFFFE003, lr  }
0x1b: {  	s9 =	sadd.s32 $0xFFFFFEF7, lr;
	s5 =	simm.s32 $0xFFFFFFFF;
	p2 =	slt.u32 s8, $0xFFFFF086  }
0x1c: {  	p1 =	slt.u32 s9, $0xF7A;
	s5 =	simm.s32 @!p2 $0x0  }
0x1d: {  	s5 =	simm.s32 @p1 $0x1;
	p0 =	seq.s32 s7, s2  }
0x1e: {  	s7 =	smul.u32 @!p0 $0xF7A, s2;
	p2 =	seq.s32 @!p0 s5, $0x0  }
0x1f: {  	s9 =	smul.u32 $0xF7A, s1;
	s8 =	simm.s32 @!p0 $0x1BF5;
	p2 =	por !p2, p0  }
0x20: {  	[sflag:s8] =	ssyncset.s32 @!p0 $0xFFFFF086;
	s6 =	sadd.s32 @!p0 s3, s7;
	s7 =	simm.s32 @!p0 $0x108  }
0x21: {  	s3 =	sadd.s32 s3, s9;
	s6 =	sadd.s32 @!p0 $0x88, s6;
	s7 =	simm.s32 @p2 $0x1082  }
0x22: {  	[simem:s7], [sflag:s8] =	dma.local @!p0 [hbm:s6], $0xF7A  }
0x23: {  	s9 =	sor.u32 $0xD0000000, s2;
	s6 =	simm.s32 $0x108;
	_ =	swait.ge @!p0 [sflag:s8], $0x0  }
0x24: {  	s3 =	sadd.s32 $0x88, s3;
	s6 =	simm.s32 @!p1 $0x1082;
	[sflag:s4] =	ssyncset.s32 $0xFFFFF086  }
0x25: {  	[simem:s6], [sflag:s4] =	dma.local [hbm:s3], $0xF7A  }
0x26: {  	[smem:$0x3F91] =	sst s1;
	(tag) =	ssettag s2;
	_ =	strace s9  }
0x27: {  	s1 =	sld [smem:$0x3FA1]  }
0x28: {  	s2 =	sld [smem:$0x3FA2]  }
0x29: {  	s4 =	sld [smem:$0x3FA4]  }
0x2a: {  	p0 =	seq.s32 s5, $0x0;
	s5 =	sld [smem:$0x3FA5]  }
0x2b: {  	s6 =	sld [smem:$0x3FA6]  }
0x2c: {  	s7 =	sld [smem:$0x3FA7]  }
0x2d: {  	s3 =	simm.s32 $0x108;
	s8 =	sld [smem:$0x3FA8]  }
0x2e: {  	s3 =	simm.s32 @!p0 $0x1082;
	s9 =	sld [smem:$0x3FA9]  }
0x2f: {  	lr =	sadd.s32 s0, s3;
	s0 =	sld [smem:$0x3FA0]  }
0x30: {  	s3 =	sld [smem:$0x3FA3]  }
0x31: {  	[smem:$0x3FAC] =	sst s10  }
0x32: {  	s10 =	sld [smem:$0x3FAA];
	_ =	sdelay $0x3  }
0x33: {  	p0 =	seq.s32 s10, $0x1;
	s10 =	sld [smem:$0x3FAC];
	_ =	sdelay $0x3  }
0x34: {  	[smem:$0x3FAC] =	sst s10  }
0x35: {  	s10 =	sld [smem:$0x3FAB];
	_ =	sdelay $0x3  }
0x36: {  	p1 =	seq.s32 s10, $0x1;
	s10 =	sld [smem:$0x3FAC];
	_ =	sdelay $0x3  }
0x37: {  	[smem:$0x3FAC] =	sst s10  }
0x38: {  	s10 =	sld [smem:$0x3FAD]  }
0x39: {  	_ = 	snop;
	(pc) =	sbr.ind lr, $3  }
0x3a: {  	_ = 	snop  }
0x3b: {  	_ = 	snop  }
0x3c: {  	p2 =	seq.s32 s10, $0x1;
	s10 =	sld [smem:$0x3FAC]  }
0x3d: {  	_ =	shalt  }
0x3e: {  	_ =	shalt  }
0x3f: {  	_ =	shalt  }
0x40: {  	_ =	shalt  }
0x41: {  	_ =	shalt  }
0x42: {  	_ =	shalt  }
0x43: {  	_ =	shalt  }
0x44: {  	_ =	shalt  }
0x45: {  	_ =	shalt  }
0x46: {  	_ =	shalt  }
0x47: {  	_ =	shalt  }
0x48: {  	_ =	shalt  }
0x49: {  	_ =	shalt  }
0x4a: {  	_ =	shalt  }
0x4b: {  	_ =	shalt  }
0x4c: {  	_ =	shalt  }
0x4d: {  	_ =	shalt  }
0x4e: {  	_ =	shalt  }
0x4f: {  	_ =	shalt  }
0x50: {  	_ =	shalt  }
0x51: {  	_ =	shalt  }
0x52: {  	_ =	shalt  }
0x53: {  	_ =	shalt  }
0x54: {  	_ =	shalt  }
0x55: {  	_ =	shalt  }
0x56: {  	_ =	shalt  }
0x57: {  	_ =	shalt  }
0x58: {  	_ =	shalt  }
0x59: {  	_ =	shalt  }
0x5a: {  	_ =	shalt  }
0x5b: {  	_ =	shalt  }
0x5c: {  	_ =	shalt  }
0x5d: {  	_ =	shalt  }
0x5e: {  	_ =	shalt  }
0x5f: {  	_ =	shalt  }
0x60: {  	_ =	shalt  }
0x61: {  	_ =	shalt  }
0x62: {  	_ =	shalt  }
0x63: {  	_ =	shalt  }
0x64: {  	_ =	shalt  }
0x65: {  	_ =	shalt  }
0x66: {  	_ =	shalt  }
0x67: {  	_ =	shalt  }
0x68: {  	_ =	shalt  }
0x69: {  	_ =	shalt  }
0x6a: {  	_ =	shalt  }
0x6b: {  	_ =	shalt  }
0x6c: {  	_ =	shalt  }
0x6d: {  	_ =	shalt  }
0x6e: {  	_ =	shalt  }
0x6f: {  	_ =	shalt  }
0x70: {  	_ =	shalt  }
0x71: {  	_ =	shalt  }
0x72: {  	_ =	shalt  }
0x73: {  	_ =	shalt  }
0x74: {  	_ =	shalt  }
0x75: {  	_ =	shalt  }
0x76: {  	_ =	shalt  }
0x77: {  	_ =	shalt  }
0x78: {  	_ =	shalt  }
0x79: {  	_ =	shalt  }
0x7a: {  	_ =	shalt  }
0x7b: {  	_ =	shalt  }
0x7c: {  	_ =	shalt  }
0x7d: {  	_ =	shalt  }
0x7e: {  	_ =	shalt  }
0x7f: {  	_ =	shalt  }
0x80: {  	_ =	shalt  }
0x81: {  	_ =	shalt  }
0x82: {  	_ =	shalt  }
0x83: {  	_ =	shalt  }
0x84: {  	_ =	shalt  }
0x85: {  	_ =	shalt  }
0x86: {  	_ =	shalt  }
0x87: {  	_ =	shalt  }
.Lfunc_end0:
.L_simem_size_0:
called_computation_lowered:
.L_overlay_start_0:
0x88: {  	s2 =	sld [smem:$0x3FD9]  }
0x89: {  	s3 =	sld [smem:$0x3FFE];
	_ =	sdelay $0x1  }
0x8a: {  	s1 =	srdreg.scid  }
0x8b: {  	s0 =	sand.u32 $0x1, s1  }
0x8c: {  	s17 =	sshll.u32 s0, $0xA;
	s2 =	sadd.s32 s3, s2  }
0x8d: {  	s2 =	sadd.s32 s2, s17  }
0x8e: {  	[smem:$0x3FB8] =	sst s2  }
0x8f: {  	_ = 	snop  }
0x90: {  	s2 =	sld [smem:$0x3FD0];
	(tm) =	ssettm $0x1  }
0x91: {  	s18 =	sld [smem:$0x3FFB];
	_ =	sdelay $0x3  }
0x92: {  	_ =	strace s18  }
0x93: {  	s3 =	sld [smem:$0x3FFC];
	_ =	sdelay $0x3  }
0x94: {  	_ =	strace s3  }
0x95: {  	s3 =	sld [smem:$0x3FFD];
	_ =	sdelay $0x3  }
0x96: {  	_ =	strace s3  }
0x97: {  	_ =	strace $0x8FFFFFFF  }
0x98: {  	s19 =	sld [smem:$0x3FDB];
	_ =	sdelay $0x1  }
0x99: {  	s4 =	simm.s32 $_scs_section_size  }
0x9a: {  	s5 =	simm.s32 $_size__tile_overlayer_lowered;
	s6 =	simm.s32 $_tile_overlayer_lowered  }
0x9b: {  	s22 =	simm.s32 $0x1BFF;
	s21 =	sshll.u32 s6, $0x1;
	s3 =	sadd.s32 s4, s19  }
0x9c: {  	s7 =	simm.s32 $0x0;
	s20 =	sshll.u32 s5, $0x1;
	s5 =	sadd.s32 s21, s3  }
0x9d: {  	[timem:s7], [sflag:s22] =	dma.local [hbm:s5], s20  }
0x9e: {  	_ =	swait.ge [sflag:s22], s20  }
0x9f: {  	s4 =	ssub.s32 $0x0, s20;
	[sflag:s22] =	ssyncset.done $0x0  }
0xa0: {  	[sflag:s22] =	ssyncadd.s32 s4;
	_ =	sdelay $0x1  }
0xa1: {  	s23 =	simm.s32 $0x1B8B  }
0xa2: {  	_ =	swait.ge [sflag:s23], $0x1  }
0xa3: {  	[sflag:s23] =	ssyncset.done $0x0  }
0xa4: {  	s25 =	simm.s32 $0x1B8E;
	s24 =	sld [smem:$0x3FFE];
	[sflag:s23] =	ssyncadd.s32 $0xFFFFFFFF  }
0xa5: {  	s26 =	simm.s32 $execute0_lowered;
	[smem:$0x3FD2] =	sst s25  }
0xa6: {  	s5 =	sshll.u32 s26, $0x1;
	_ =	strace $0x80000046;
	[dreg:$0x1] =	wrdreg $0xFFFFFFFF  }
0xa7: {  	s28 =	simm.s32 $_size_execute0_lowered;
	s3 =	sadd.s32 s3, s5;
	[dreg:$0x0] =	wrdreg $0x0  }
0xa8: {  	s5 =	sshll.u32 s28, $0x1;
	[dreg:$0x2] =	wrdreg s3  }
0xa9: {  	[dreg:$0x3] =	wrdreg s5  }
0xaa: {  	[dreg:$0x4] =	wrdreg $0xC0  }
0xab: {  	_ =	task [dreg:s7], $0x5FFFF  }
0xac: {  	[dreg:$0x1] =	wrdreg $0xFFFFFFFF  }
0xad: {  	[dreg:$0x0] =	wrdreg $0x60  }
0xae: {  	[dreg:$0x2] =	wrdreg s2  }
0xaf: {  	[dreg:$0x3] =	wrdreg s24  }
0xb0: {  	[dreg:$0x4] =	wrdreg $0x8D000  }
0xb1: {  	[dreg:$0x5] =	wrdreg $0x9  }
0xb2: {  	_ =	task.clear_ibuf [dreg:s7], $0x6FFFF;
	_ =	strace $0x90000046  }
0xb3: {  	s29 =	simm.s32 $0x9;
	_ =	strace $0x80000048  }
0xb4: {  	_ =	swait.ge [sflag:s29], $0x1  }
0xb5: {  	[sflag:s29] =	ssyncadd.s32 $0xFFFFFFFF  }
0xb6: {  	_ =	strace $0x90000048  }
0xb7: {  	_ =	sfence  }
0xb8: {  	s30 =	sld [smem:$0x0];
	_ =	sdelay $0x2  }
0xb9: {  	s31 =	sshll.u32 s1, $0xD;
	s1 =	sshrl.u32 s1, $0x2  }
0xba: {  	s3 =	sand.u32 $0x4000, s31;
	s1 =	sadd.s32 s1, s30  }
0xbb: {  	s0 =	sor.u32 s3, s0;
	s1 =	sshll.u32 s1, $0x11  }
0xbc: {  	s0 =	sor.u32 s1, s0  }
0xbd: {  	s0 =	sadd.s32 $0x8F2B, s0  }
0xbe: {  	[sflag:s0] =	ssyncadd.remote.s32 $0x1  }
0xbf: {  	_ =	sfence.sel $0xFFFF  }
0xc0: {  	[dreg:$0x0] =	wrdreg $0xFFFFFFFF;
	(pc) =	sbr.abs _section_cstart, $3  }
0xc1: {  	[dreg:$0x1] =	wrdreg $0xFFFFFFFF  }
0xc2: {  	_ =	task.clear_ibuf [dreg:s7], $0x2FFFF;
	_ =	strace $0x9FFFFFFF  }
0xc3: {  	(tm) =	ssettm $0x7FFFFFFF  }
tec
execute0_lowered:
.L_overlay_start_1:
0x0: {  	(tag) =	ssettag $0x1  }
0x1: {  	s1 =	rddreg [dreg:$0x0]  }
0x2: {  	s0 =	rddreg [dreg:$0x1]  }
0x3: {  	s2 =	rddreg [dreg:$0x2]  }
0x4: {  	s3 =	srdreg.scid;
	s4 =	simm.s32 $0x0;
	s10 =	stileid.u32  }
0x5: {  	s28 =	simm.s32 $0x480;
	s29 =	simm.s32 $0x10;
	s30 =	simm.s32 $0x8500  }
0x6: {  	s31 =	simm.s32 $0x2;
	s3 =	sand.u32 $0x1, s3;
	s8 =	smul.u32 $0x14000, s10  }
0x7: {  	[smem:$0x7FF] =	sst s4;
	s5 =	sadd.s32 $0xCA00, s0;
	s20 =	smul.u32 $0x50000, s10  }
0x8: {  	s9 =	sshll.u32 s10, $0x1;
	s6 =	sadd.s32 $0x2C00, s0;
	s10 =	smul.u32 $0x4E20, s10  }
0x9: {  	s11 =	sadd.s32 $0x16800, s0;
	s7 =	smul.u32 $0x140000, s3;
	_ =	strace $0x80000047  }
0xa: {  	s17 =	sor.u32 s3, s9;
	s18 =	ssub.s32 $0x2, s3;
	s3 =	smul.u32 $0x2710, s3  }
0xb: {  	[dreg:$0x4] =	wrdreg s11;
	s7 =	sadd.s32 s8, s7;
	s8 =	smul.u32 $0x2710, s17  }
0xc: {  	s19 =	sshrl.u32 s18, $0x1;
	s25 =	sshrl.u32 s20, $0x2;
	s20 =	simm.s32 $0x4  }
0xd: {  	s3 =	sadd.s32 s3, s10;
	s7 =	sshrl.u32 s7, $0x3;
	s8 =	sshrl.u32 s8, $0x3  }
0xe: {  	s26 =	sadd.s32 $0x180, s3;
	s10 =	sadd.s32 $0x100, s3;
	s21 =	sadd.s32 s5, s8  }
0xf: {  	s0 =	sadd.s32 s7, s0;
	s22 =	sadd.s32 s6, s8;
	[dreg:$0x5] =	wrdreg s21  }
0x10: {  	s7 =	ssub.s32 s18, s19;
	s0 =	sadd.s32 $0x19000, s0;
	[dreg:$0x6] =	wrdreg s22  }
0x11: {  	s23 =	sadd.s32 $0x10, s8;
	s7 =	smax.u32 s7, $0x1;
	[dreg:$0xc] =	wrdreg s0  }
0x12: {  	s3 =	simm.s32 $0x0;
	s12 =	sadd.s32 s5, s23;
	[dreg:$0xd] =	wrdreg s7  }
0x13: {  	s8 =	sadd.s32 $0x4E0, s8;
	s11 =	sadd.s32 s6, s23;
	[dreg:$0x7] =	wrdreg s12  }
.Ltmp0:
0x14: {  	s24 =	sadd.s32 s5, s8;
	[dreg:$0x8] =	wrdreg s11;
	(pc) =	sbr.rel .LBB2_1-.Ltmp0, $4  }
0x15: {  	s8 =	sadd.s32 s6, s8;
	s0 =	sshrl.u32 s26, $0x3;
	[dreg:$0x9] =	wrdreg s24  }
0x16: {  	s22 =	simm.s32 $0x80;
	s26 =	simm.s32 $0x400;
	[dreg:$0xa] =	wrdreg s8  }
0x17: {  	s8 =	sadd.s32 s25, s2;
	s7 =	sadd.s32 s0, s5;
	s25 =	simm.s32 $0x4500  }
0x18: {  	[dreg:$0xb] =	wrdreg s8;
	s8 =	sadd.s32 s0, s6;
	s0 =	simm.s32 $0x3  }
.LBB2_4:
0x19: {  	[bflag:$0x0] =	sbarrier.arrive $0xFFFF  }
0x1a: {  	s9 =	rddreg [dreg:$0xc]  }
0x1b: {  	[hbm:s9], [sflag:s21] =	dma.local [spmem:s23], $0x2800  }
0x1c: {  	_ =	swait.ge [sflag:s20], $0x2800  }
0x1d: {  	s3 =	sadd.s32 $0x1, s3;
	s24 =	rddreg [dreg:$0xd]  }
0x1e: {  	p0 =	sne.s32 s3, s24  }
.Ltmp1:
0x1f: {  	_ = 	snop;
	(pc) =	sbr.rel @!p0 .LBB2_5-.Ltmp1, $3  }
0x20: {  	_ =	sdelay $0x1  }
0x21: {  	[sflag:s20] =	ssyncset.done $0x0  }
0x22: {  	[sflag:s20] =	ssyncadd.s32 $0xFFFFD800  }
.LBB2_1:
0x23: {  	s9 =	rddreg [dreg:$0x5]  }
0x24: {  	[tilespmem:s4], [sflag:$0x4] =	stream.linear.gather [hbm4b:s9+s4], $0x80, $0x38;
	[tilespmem:$0x1CD00] =	vst v63  }
0x25: {  	_ =	swait.ge [sflag:s20], $0x80  }
0x26: {  	[sflag:s20] =	ssyncset.done $0x0  }
0x27: {  	s11 =	simm.s32 $0x200;
	s13 =	rddreg [dreg:$0x6];
	[sflag:s20] =	ssyncadd.s32 $0xFFFFFF80  }
0x28: {  	[tilespmem:s11], [sflag:$0x4] =	stream.linear.gather [hbm4b:s13+s4], $0x80, $0x38;
	[tilespmem:$0x1CD00] =	vst v63  }
0x29: {  	_ =	swait.ge [sflag:s20], $0x80  }
0x2a: {  	[sflag:s20] =	ssyncset.done $0x0  }
0x2b: {  	s14 =	simm.s32 $0x500;
	[sflag:s20] =	ssyncadd.s32 $0xFFFFFF80  }
0x2c: {  	[tilespmem:s14], [sflag:$0x1] =	stream.indirect.gather [hbm4b:s1+s22], $0x80, s4, s22, $0xb8;
	[tilespmem:$0x1CD00] =	vst v63  }
0x2d: {  	s15 =	rddreg [dreg:$0x7]  }
0x2e: {  	[tilespmem:s22], [sflag:$0x4] =	stream.linear.gather [hbm4b:s15+s4], $0x80, $0x38;
	[tilespmem:$0x1CD00] =	vst v63  }
0x2f: {  	_ =	swait.ge [sflag:s20], $0x80  }
0x30: {  	[sflag:s20] =	ssyncset.done $0x0  }
0x31: {  	s17 =	simm.s32 $0x280;
	s16 =	rddreg [dreg:$0x8];
	[sflag:s20] =	ssyncadd.s32 $0xFFFFFF80  }
0x32: {  	[tilespmem:s17], [sflag:$0x4] =	stream.linear.gather [hbm4b:s16+s4], $0x80, $0x38;
	[tilespmem:$0x1CD00] =	vst v63  }
0x33: {  	_ =	swait.ge [sflag:s20], $0x80  }
0x34: {  	[sflag:s20] =	ssyncset.done $0x0  }
0x35: {  	[sflag:s20] =	ssyncadd.s32 $0xFFFFFF80  }
0x36: {  	[tilespmem:s25], [sflag:$0x2] =	stream.indirect.gather [hbm4b:s1+s22], $0x80, s22, s22, $0xb8;
	[tilespmem:$0x1CD00] =	vst v63  }
0x37: {  	s18 =	rddreg [dreg:$0x9]  }
0x38: {  	[tilespmem:s26], [sflag:$0x4] =	stream.linear.gather [hbm4b:s18+s4], $0x10, $0x38;
	[tilespmem:$0x1CD00] =	vst v63  }
0x39: {  	_ =	swait.ge [sflag:s20], $0x10  }
0x3a: {  	[sflag:s20] =	ssyncset.done $0x0  }
0x3b: {  	s21 =	stileid.u32;
	s19 =	rddreg [dreg:$0xa];
	[sflag:s20] =	ssyncadd.s32 $0xFFFFFFF0  }
0x3c: {  	[tilespmem:s28], [sflag:$0x4] =	stream.linear.gather [hbm4b:s19+s4], $0x10, $0x38;
	[tilespmem:$0x1CD00] =	vst v63  }
0x3d: {  	s9 =	sshll.u32 s21, $0x6;
	_ =	swait.ge [sflag:s20], $0x10  }
0x3e: {  	s21 =	sor.u32 $0x1C04, s9;
	[sflag:s20] =	ssyncset.done $0x0;
	s23 =	rddreg [dreg:$0xb]  }
0x3f: {  	s24 =	rddreg [dreg:$0x4];
	[sflag:s20] =	ssyncadd.s32 $0xFFFFFFF0;
	s23 =	sshrl.u32 s23, $0x3  }
0x40: {  	[tilespmem:s30], [sflag:$0x3] =	stream.indirect.gather [hbm4b:s1+s29], $0x80, s26, s29, $0xb8;
	[tilespmem:$0x1CD00] =	vst v63  }
0x41: {  	[spmem:s23], [sflag:s21] =	dma.local [hbm:s24], $0x2800  }
0x42: {  	_ =	swait.ge [sflag:s20], $0x2800  }
0x43: {  	[sflag:s20] =	ssyncset.done $0x0  }
0x44: {  	[sflag:s20] =	ssyncadd.s32 $0xFFFFD800  }
0x45: {  	[bflag:$0x0] =	sbarrier.arrive $0xFFFF  }
0x46: {  	_ =	swait.ge [sflag:s0], $0x800  }
0x47: {  	[sflag:s0] =	ssyncset.done $0x0  }
0x48: {  	[sflag:s0] =	ssyncadd.s32 $0xFFFFF800  }
0x49: {  	[spmem:s2] =	stream.indirect.scatter.add.f32 [tilespmem:s30], [sflag:$0x4], $0x80, s28, s29, $0xb8;
	[tilespmem:$0x1CD00] =	vst v63  }
0x4a: {  	s9 =	simm.s32 $0x3;
	_ =	swait.ge [sflag:s20], $0x800  }
0x4b: {  	s17 =	smov.u32 s10;
	s18 =	smov.u32 s8;
	[sflag:s20] =	ssyncset.done $0x0  }
0x4c: {  	s19 =	smov.u32 s7;
	s24 =	simm.s32 $0x0;
	[sflag:s20] =	ssyncadd.s32 $0xFFFFF800  }
.LBB2_2:
0x4d: {  	p0 =	sne.s32 s9, $0x4F  }
0x4e: {  	s11 =	sadd.s32 @p0 $0xFFFFFFFF, s9  }
0x4f: {  	s12 =	sshrl.u32 @p0 s17, $0x3;
	s11 =	sand.u32 @p0 $0x2, s11  }
0x50: {  	s14 =	simm.s32 @p0 $0x0;
	s13 =	sadd.s32 @p0 s5, s12;
	s11 =	sshll.u32 @p0 s11, $0x7  }
0x51: {  	[tilespmem:s11], [sflag:$0x3] =	stream.linear.gather @p0 [hbm4b:s13+s14], $0x80, $0x38;
	[tilespmem:$0x1CD00] =	vst v63  }
0x52: {  	s12 =	sadd.s32 @p0 s6, s12;
	s13 =	sor.u32 @p0 $0x200, s11  }
0x53: {  	[tilespmem:s13], [sflag:$0x3] =	stream.linear.gather @p0 [hbm4b:s12+s14], $0x80, $0x38;
	[tilespmem:$0x1CD00] =	vst v63  }
0x54: {  	s12 =	simm.s32 @p0 $0x1  }
0x55: {  	_ =	swait.ge @p0 [sflag:s12], $0x4000  }
0x56: {  	s13 =	sand.u32 @p0 $0x400, s24;
	[sflag:s12] =	ssyncset.done @p0 $0x0  }
0x57: {  	[sflag:s12] =	ssyncadd.s32 @p0 $0xFFFFC000;
	s12 =	sshrl.u32 @p0 s13, $0x2  }
0x58: {  	s15 =	simm.s32 @p0 $0x80;
	s16 =	simm.s32 @p0 $0x500;
	s12 =	sor.u32 @p0 $0x200, s12  }
0x59: {  	[spmem:s2] =	stream.indirect.scatter.add.f32 @p0 [tilespmem:s16], [sflag:$0x4], $0x80, s12, s15, $0xb8;
	[tilespmem:$0x1CD00] =	vst v63  }
0x5a: {  	s12 =	simm.s32 @p0 $0x4  }
0x5b: {  	_ =	swait.ge @p0 [sflag:s12], $0x4000  }
0x5c: {  	[sflag:s12] =	ssyncset.done @p0 $0x0  }
0x5d: {  	[sflag:s12] =	ssyncadd.s32 @p0 $0xFFFFC000;
	s12 =	simm.s32 @p0 $0x3  }
0x5e: {  	_ =	swait.ge @p0 [sflag:s12], $0x80  }
0x5f: {  	[sflag:s12] =	ssyncset.done @p0 $0x0  }
0x60: {  	[sflag:s12] =	ssyncadd.s32 @p0 $0xFFFFFF80  }
0x61: {  	_ =	swait.ge @p0 [sflag:s12], $0x80  }
0x62: {  	[sflag:s12] =	ssyncset.done @p0 $0x0  }
0x63: {  	[sflag:s12] =	ssyncadd.s32 @p0 $0xFFFFFF80  }
0x64: {  	[tilespmem:s16], [sflag:$0x1] =	stream.indirect.gather @p0 [hbm4b:s1+s15], $0x80, s11, s15, $0xb8;
	[tilespmem:$0x1CD00] =	vst v63  }
0x65: {  	s11 =	sand.u32 @p0 $0x3, s9  }
0x66: {  	s12 =	sshll.u32 @p0 s11, $0x7  }
0x67: {  	[tilespmem:s12], [sflag:$0x3] =	stream.linear.gather @p0 [hbm4b:s19+s14], $0x80, $0x38;
	[tilespmem:$0x1CD00] =	vst v63  }
0x68: {  	s12 =	sor.u32 @p0 $0x200, s12  }
0x69: {  	[tilespmem:s12], [sflag:$0x3] =	stream.linear.gather @p0 [hbm4b:s18+s14], $0x80, $0x38;
	[tilespmem:$0x1CD00] =	vst v63  }
0x6a: {  	s12 =	simm.s32 @!p0 $0x1  }
0x6b: {  	_ =	swait.ge @!p0 [sflag:s12], $0x4000  }
0x6c: {  	s15 =	simm.s32 @!p0 $0x500;
	[sflag:s12] =	ssyncset.done @!p0 $0x0  }
0x6d: {  	s14 =	simm.s32 @!p0 $0x200;
	[sflag:s12] =	ssyncadd.s32 @!p0 $0xFFFFC000;
	s12 =	simm.s32 @!p0 $0x80  }
0x6e: {  	[spmem:s2] =	stream.indirect.scatter.add.f32 @!p0 [tilespmem:s15], [sflag:$0x4], $0x80, s14, s12, $0xb8;
	[tilespmem:$0x1CD00] =	vst v63  }
0x6f: {  	s12 =	simm.s32 @!p0 $0x4  }
0x70: {  	_ =	swait.ge @!p0 [sflag:s12], $0x4000  }
0x71: {  	[sflag:s12] =	ssyncset.done @!p0 $0x0  }
0x72: {  	[sflag:s12] =	ssyncadd.s32 @!p0 $0xFFFFC000  }
0x73: {  	s13 =	simm.s32 @!p0 $0x0;
	_ =	swait.ge [sflag:s31], $0x4000  }
0x74: {  	p1 =	seq.s32 s9, $0x4F;
	s16 =	sshrl.u32 s13, $0x2;
	[sflag:s31] =	ssyncset.done $0x0  }
.Ltmp2:
0x75: {  	s12 =	sadd.s32 $0x280, s16;
	[sflag:s31] =	ssyncadd.s32 $0xFFFFC000;
	(pc) =	sbr.rel @p1 .LBB2_4-.Ltmp2, $4  }
0x76: {  	[spmem:s2] =	stream.indirect.scatter.add.f32 [tilespmem:s25], [sflag:$0x4], $0x80, s12, s22, $0xb8;
	[tilespmem:$0x1CD00] =	vst v63  }
0x77: {  	_ =	swait.ge [sflag:s20], $0x4000  }
0x78: {  	[sflag:s20] =	ssyncset.done $0x0  }
0x79: {  	[sflag:s20] =	ssyncadd.s32 $0xFFFFC000  }
0x7a: {  	_ =	swait.ge [sflag:s0], $0x80  }
0x7b: {  	s11 =	sshll.u32 @p0 s11, $0x9;
	[sflag:s0] =	ssyncset.done $0x0  }
.Ltmp3:
0x7c: {  	s17 =	sadd.s32 $0x100, s17;
	[sflag:s0] =	ssyncadd.s32 $0xFFFFFF80;
	(pc) =	sbr.rel .LBB2_2-.Ltmp3, $4  }
0x7d: {  	s9 =	sadd.s32 $0x2, s9;
	s18 =	sadd.s32 $0x20, s18;
	_ =	swait.ge [sflag:s0], $0x80  }
0x7e: {  	s19 =	sadd.s32 $0x20, s19;
	s11 =	simm.s32 @!p0 $0x600;
	[sflag:s0] =	ssyncset.done $0x0  }
0x7f: {  	s24 =	sadd.s32 $0x400, s24;
	s11 =	sshrl.u32 s11, $0x2;
	[sflag:s0] =	ssyncadd.s32 $0xFFFFFF80  }
0x80: {  	[tilespmem:s25], [sflag:$0x2] =	stream.indirect.gather [hbm4b:s1+s22], $0x80, s11, s22, $0xb8;
	[tilespmem:$0x1CD00] =	vst v63  }
.LBB2_5:
0x81: {  	_ =	sfence.sel $0x180000  }
0x82: {  	[bflag:$0x0] =	sbarrier.arrive $0xFFFF  }
0x83: {  	_ =	strace $0x90000047  }
0x84: {  	s0 =	stileid.u32;
	[bflag:$0x2] =	sbarrier.arrive $0xFFFF  }
0x85: {  	p0 =	sne.s32 s0, $0x0;
	s0 =	rddreg [dreg:$0x3]  }
0x86: {  	s0 =	sadd.s32 @!p0 $0x100000, s0  }
0x87: {  	[sflag:s0] =	ssyncadd.tile.s32 @!p0 $0x1;
	_ =	shalt  }
.Lfunc_end2:
_tile_overlayer_lowered:
.L_overlay_start_2:
0x88: {  	(tag) =	ssettag $0x2  }
0x89: {  	s0 =	rddreg [dreg:$0x0];
	s2 =	stileid.u32  }
0x8a: {  	s1 =	rddreg [dreg:$0x1];
	p0 =	sne.s32 s2, $0x0  }
0x8b: {  	s3 =	rddreg [dreg:$0x2];
	[bflag:$0x3] =	sbarrier.arrive $0xFFFF;
	s2 =	simm.s32 @!p0 $0x1C04  }
0x8c: {  	[timem:s3], [sflag:s2] =	dma.local @!p0 [hbm:s0], s1  }
0x8d: {  	s0 =	simm.s32 @!p0 $0x4  }
0x8e: {  	_ =	swait.ge @!p0 [sflag:s0], s1  }
0x8f: {  	s1 =	ssub.s32 @!p0 $0x0, s1;
	[sflag:s0] =	ssyncset.done @!p0 $0x0  }
0x90: {  	[sflag:s0] =	ssyncadd.s32 @!p0 s1  }
0x91: {  	[bflag:$0x3] =	sbarrier.arrive $0xFFFF  }
0x92: {  	_ =	shalt  }

</sc_bundles>
